<compile_context>
chip_gen: v7x
topology: tpu7x:2x2x1
jax: 0.10.2.dev20260603
libtpu: 0.0.44.dev20260713+nightly
codegen_flags: <defaults>
</compile_context>

<pallas_src>
import functools

import jax
import jax.numpy as jnp
import numpy as np
from jax import lax
from jax.experimental import pallas as pl
from jax.experimental.pallas import tpu as pltpu
from jax.experimental.pallas import tpu_sc as plsc

_T = 2048
_H = 12
_C = 64
_NE = _H * _C
_M = 65536
_K = 3

_NEG = np.float32(-1e9)
_BIGF = np.float32(1e9)



def _qkv_body(x_ref, w_ref, o_ref):
    o_ref[...] = jnp.dot(x_ref[...], w_ref[...],
                         preferred_element_type=jnp.float32)


def _qkv_call(xf, w_attn):
    return pl.pallas_call(
        _qkv_body,
        grid=(3,),
        in_specs=[
            pl.BlockSpec((_T, _NE), lambda j: (0, 0)),
            pl.BlockSpec((_NE, _NE), lambda j: (0, j)),
        ],
        out_specs=pl.BlockSpec((_T, _NE), lambda j: (0, j)),
        out_shape=jax.ShapeDtypeStruct((_T, 3 * _NE), jnp.float32),
    )(xf, w_attn)



_QB = 512


def _attn_body(q_ref, k_ref, v_ref, o_ref):
    qb = pl.program_id(1)
    q2 = q_ref[...]
    k2 = k_ref[...]
    v2 = v_ref[...]
    rows = lax.broadcasted_iota(jnp.int32, (_QB, _T), 0) + qb * _QB
    cols = lax.broadcasted_iota(jnp.int32, (_QB, _T), 1)
    causal = cols <= rows
    halves = []
    for half in range(2):
        sl = slice(half * _C, (half + 1) * _C)
        s = lax.dot_general(q2[:, sl], k2[:, sl], (((1,), (1,)), ((), ())),
                            preferred_element_type=jnp.float32)
        s = s * np.float32(1.0 / (_C ** 0.5))
        s = jnp.where(causal, s, _NEG)
        a = jax.nn.softmax(s, axis=-1)
        halves.append(jnp.dot(a, v2[:, sl],
                              preferred_element_type=jnp.float32))
    o_ref[...] = jnp.concatenate(halves, axis=1)


def _attn_call(qkv):
    hp = _H // 2
    return pl.pallas_call(
        _attn_body,
        grid=(hp, _T // _QB),
        in_specs=[
            pl.BlockSpec((_QB, 2 * _C), lambda h2, qb: (qb, h2)),
            pl.BlockSpec((_T, 2 * _C), lambda h2, qb: (0, hp + h2)),
            pl.BlockSpec((_T, 2 * _C), lambda h2, qb: (0, 2 * hp + h2)),
        ],
        out_specs=pl.BlockSpec((_QB, 2 * _C), lambda h2, qb: (qb, h2)),
        out_shape=jax.ShapeDtypeStruct((_T, _NE), jnp.float32),
    )(qkv, qkv, qkv)



_MT = 2048


def _search_body(q_ref, mem_ref, o_ref, vals_ref, idxs_ref, mk_buf, sem):
    m = pl.program_id(0)
    nm = pl.num_programs(0)

    def key_dma(i, slot):
        return pltpu.make_async_copy(
            mem_ref.at[0, pl.ds(i * _MT, _MT), 0, :],
            mk_buf.at[slot], sem.at[slot])

    @pl.when(m == 0)
    def _():
        vals_ref[...] = jnp.full((8, _T), _NEG, jnp.float32)
        idxs_ref[...] = jnp.full((8, _T), _BIGF, jnp.float32)
        key_dma(0, 0).start()

    @pl.when(m + 1 < nm)
    def _():
        key_dma(m + 1, (m + 1) % 2).start()

    key_dma(m, m % 2).wait()
    q = q_ref[...]
    mk = mk_buf[m % 2]
    s = lax.dot_general(mk, q, (((1,), (1,)), ((), ())),
                        preferred_element_type=jnp.float32)

    rowcol = lax.broadcasted_iota(
        jnp.int32, (_MT, 1), 0).astype(jnp.float32)
    mf = (m * _MT).astype(jnp.float32)
    work = s
    bv, bi = [], []
    for j in range(_K):
        mj = jnp.max(work, axis=0, keepdims=True)
        is_m = work == mj
        aj = jnp.min(jnp.where(is_m, rowcol, _BIGF),
                     axis=0, keepdims=True) + mf
        bv.append(mj)
        bi.append(aj)
        if j < _K - 1:
            work = jnp.where(is_m, _NEG, work)

    av = [vals_ref[j:j + 1, :] for j in range(_K)]
    ai = [idxs_ref[j:j + 1, :] for j in range(_K)]
    pick = jnp.where
    c1 = bv[0] > av[0]
    r1v = pick(c1, bv[0], av[0])
    r1i = pick(c1, bi[0], ai[0])
    a2v = pick(c1, av[0], av[1])
    a2i = pick(c1, ai[0], ai[1])
    b2v = pick(c1, bv[1], bv[0])
    b2i = pick(c1, bi[1], bi[0])
    c2 = b2v > a2v
    r2v = pick(c2, b2v, a2v)
    r2i = pick(c2, b2i, a2i)
    a3v = pick(c2, a2v, pick(c1, av[1], av[2]))
    a3i = pick(c2, a2i, pick(c1, ai[1], ai[2]))
    b3v = pick(c2, pick(c1, bv[2], bv[1]), b2v)
    b3i = pick(c2, pick(c1, bi[2], bi[1]), b2i)
    c3 = b3v > a3v
    r3v = pick(c3, b3v, a3v)
    r3i = pick(c3, b3i, a3i)

    vals_ref[0:1, :] = r1v
    vals_ref[1:2, :] = r2v
    vals_ref[2:3, :] = r3v
    idxs_ref[0:1, :] = r1i
    idxs_ref[1:2, :] = r2i
    idxs_ref[2:3, :] = r3i

    @pl.when(m == nm - 1)
    def _():
        o_ref[...] = jnp.concatenate(
            [r1i, r2i, r3i, jnp.zeros((5, _T), jnp.float32)],
            axis=0).astype(jnp.int32)


def _search_call(qkv, mem_kv):
    return pl.pallas_call(
        _search_body,
        grid=(_M // _MT,),
        in_specs=[
            pl.BlockSpec((_T, _NE), lambda m: (0, 0)),
            pl.BlockSpec(memory_space=pl.ANY),
        ],
        out_specs=pl.BlockSpec((8, _T), lambda m: (0, 0)),
        out_shape=jax.ShapeDtypeStruct((8, _T), jnp.int32),
        scratch_shapes=[
            pltpu.VMEM((8, _T), jnp.float32),
            pltpu.VMEM((8, _T), jnp.float32),
            pltpu.VMEM((2, _MT, _NE), jnp.float32),
            pltpu.SemaphoreType.DMA((2,)),
        ],
    )(qkv, mem_kv)



_NW = 32
_ROWS = _T * _K
_RPW = _ROWS // _NW
_CH = 32
_D = 2 * _NE


def _sc_gather_body(table_hbm, idx_hbm, out_hbm, idx_v, rows_v, sem):
    wid = lax.axis_index("s") * 2 + lax.axis_index("c")
    base = wid * _RPW
    for chunk in range(_RPW // _CH):
        off = base + chunk * _CH
        pltpu.sync_copy(idx_hbm.at[pl.ds(off, _CH)], idx_v)
        pltpu.async_copy(table_hbm.at[idx_v], rows_v, sem).wait()
        pltpu.sync_copy(rows_v, out_hbm.at[pl.ds(off, _CH)])


@functools.cache
def _sc_gather_kernel():
    return pl.kernel(
        _sc_gather_body,
        out_type=jax.ShapeDtypeStruct((_ROWS, 2, _NE), jnp.float32),
        mesh=plsc.VectorSubcoreMesh(core_axis_name="c",
                                    subcore_axis_name="s"),
        scratch_types=[
            pltpu.VMEM((_CH,), jnp.int32),
            pltpu.VMEM((_CH, 2, _NE), jnp.float32),
            pltpu.SemaphoreType.DMA,
        ],
    )


def _gather_call(mem3, idx):
    return _sc_gather_kernel()(mem3, idx)



_SCALE = np.float32(_NE / (_H ** (-0.5)))


def _final_body(q_ref, y_ref, mk0, mk1, mk2, mv0, mv1, mv2,
                g_ref, wp_ref, o_ref):
    h2 = pl.program_id(0)
    q2 = q_ref[...]
    qk0, qk1 = [], []
    for mk in (mk0, mk1, mk2):
        p = q2 * mk[...]
        qk0.append(jnp.sum(p[:, :_C], axis=1, keepdims=True) * _SCALE)
        qk1.append(jnp.sum(p[:, _C:], axis=1, keepdims=True) * _SCALE)
    w0 = jax.nn.softmax(jnp.concatenate(qk0, axis=1), axis=1)
    w1 = jax.nn.softmax(jnp.concatenate(qk1, axis=1), axis=1)
    mem0 = jnp.zeros((_T, _C), jnp.float32)
    mem1 = jnp.zeros((_T, _C), jnp.float32)
    for k, mv in enumerate((mv0, mv1, mv2)):
        mvv = mv[...]
        mem0 += w0[:, k:k + 1] * mvv[:, :_C]
        mem1 += w1[:, k:k + 1] * mvv[:, _C:]
    mem = jnp.concatenate([mem0, mem1], axis=1)
    g = g_ref[...]
    comb = mem * g + y_ref[...] * (np.float32(1.0) - g)
    acc = jnp.dot(comb, wp_ref[...], preferred_element_type=jnp.float32)

    @pl.when(h2 == 0)
    def _():
        o_ref[...] = jnp.zeros_like(o_ref)

    o_ref[...] += acc


def _final_call(qkv, y, sel_r, g_row, w_proj):
    hp = _H // 2
    kpart = [pl.BlockSpec((_T, 2 * _C), (lambda h2, k=k: (0, k * 12 + h2)))
             for k in range(_K)]
    vpart = [pl.BlockSpec((_T, 2 * _C), (lambda h2, k=k: (0, k * 12 + hp + h2)))
             for k in range(_K)]
    return pl.pallas_call(
        _final_body,
        grid=(hp,),
        in_specs=[
            pl.BlockSpec((_T, 2 * _C), lambda h2: (0, h2)),
            pl.BlockSpec((_T, 2 * _C), lambda h2: (0, h2)),
            *kpart, *vpart,
            pl.BlockSpec((1, 2 * _C), lambda h2: (0, h2)),
            pl.BlockSpec((2 * _C, _NE), lambda h2: (h2, 0)),
        ],
        out_specs=pl.BlockSpec((_T, _NE), lambda h2: (0, 0)),
        out_shape=jax.ShapeDtypeStruct((_T, _NE), jnp.float32),
    )(qkv, y, sel_r, sel_r, sel_r, sel_r, sel_r, sel_r, g_row, w_proj)




def kernel(x, mem_kv, W_attn, W_proj, gate_bias):
    b, t, h, c = x.shape
    xf = x.reshape(t, h * c)
    mem3 = mem_kv.reshape(_M, 2, _NE)

    qkv = _qkv_call(xf, W_attn)
    y = _attn_call(qkv)
    topi = _search_call(qkv, mem_kv)
    idx = jnp.clip(topi[:_K, :].T, 0, _M - 1).reshape(_ROWS)
    sel = _gather_call(mem3, idx)
    sel_r = sel.reshape(_T, _K * _D)
    g_row = jnp.repeat(gate_bias.reshape(_H), _C).reshape(1, _NE)
    out = _final_call(qkv, y, sel_r, g_row, W_proj)
    return out.reshape(b, t, h * c)

# --- scband reference (transcript-rebuilt; emitter-appended) ---
"""Pipeline reference for scband-knnattention-16587163697314 (READ-ONLY COPY).

The authoritative reference and input builder live on the scoring server;
editing this copy changes nothing except your own understanding.
"""

import jax, jax.numpy as jnp
import numpy as np

# KNNAttention reference. Notes on faithfulness:
# - The original forward has `B, T, n_head, C = vi.size()`; we interpret the input x as
#   float32[B, T, n_head, head_dim] which is immediately flattened to [B, T, n_embd].
# - The external `knn` object (faiss-style IndexFlatIP) is modeled as a dense memory bank
#   mem_kv: float32[B, M, 2, n_embd] holding stacked (k, v) rows; knn.search(queries, topk=3)
#   is brute-force inner-product top-3 over the key rows, gathering the (k, v) pairs.
# - The (buggy) scale = n_embd / n_head**(-0.5) = n_embd * sqrt(n_head) is kept as-is.
# - Eval mode: dropout is identity. The trailing knn.add() side effect is stateful and
#   does not affect the returned output, so it is omitted.

B, T, H, C = 1, 2048, 12, 64
NE = H * C
M = 65536
TOPK = 3


def setup_inputs(seed: int = 0) -> dict:
    key = jax.random.key(seed)
    ks = jax.random.split(key, 5)
    x = jax.random.normal(ks[0], (B, T, H, C), dtype=jnp.float32)
    mem_kv = jax.random.normal(ks[1], (B, M, 2, NE), dtype=jnp.float32)
    W_attn = jax.random.normal(ks[2], (NE, 3 * NE), dtype=jnp.float32) * 0.02
    W_proj = jax.random.normal(ks[3], (NE, NE), dtype=jnp.float32) * 0.02
    gate_bias = jax.random.normal(ks[4], (H, 1, 1), dtype=jnp.float32)
    return {"x": x, "mem_kv": mem_kv, "W_attn": W_attn, "W_proj": W_proj, "gate_bias": gate_bias}


def reference(x, mem_kv, W_attn, W_proj, gate_bias):
    b, t, h, c = x.shape
    ne = h * c
    xf = x.reshape(b, t, ne)
    qkv = xf @ W_attn  # [B, T, 3*NE]
    q, k_xl, v = jnp.split(qkv, 3, axis=2)
    q = q.reshape(b, t, h, c).transpose(0, 2, 1, 3)  # [B, H, T, C]
    k = k_xl.reshape(b, t, h, c).transpose(0, 2, 1, 3)
    v = v.reshape(b, t, h, c).transpose(0, 2, 1, 3)

    # causal scaled-dot-product attention (torch SDPA semantics)
    att = jnp.einsum('bhtd,bhsd->bhts', q, k) * (1.0 / np.sqrt(c))
    causal = jnp.tril(jnp.ones((t, t), dtype=bool))
    att = jnp.where(causal[None, None], att, jnp.float32(-1e9))
    att = jax.nn.softmax(att, axis=-1)
    y = jnp.einsum('bhts,bhsd->bhtd', att, v)  # [B, H, T, C]

    # knn branch: brute-force inner-product search over key rows of memory bank
    queries = q.transpose(0, 2, 1, 3).reshape(b, t, ne)  # b h t d -> b t (h d)
    mem_k_bank = mem_kv[:, :, 0, :]  # [B, M, NE]
    sims = jnp.einsum('btd,bmd->btm', queries, mem_k_bank)  # [B, T, M]
    _, topi = jax.lax.top_k(sims, TOPK)  # [B, T, K]
    sel = jax.vmap(lambda bank, idx: bank[idx])(mem_kv, topi)  # [B, T, K, 2, NE]
    mem_k = sel[..., 0, :].reshape(b, t, TOPK, h, c).transpose(0, 3, 1, 2, 4)  # [B,H,T,K,C]
    mem_v = sel[..., 1, :].reshape(b, t, TOPK, h, c).transpose(0, 3, 1, 2, 4)

    scale = ne / (h ** (-0.5))  # faithful to original (bug) scale
    mem_qk = jnp.einsum('bhtd,bhtkd->bhtk', q, mem_k) * scale
    mem_qk = jax.nn.softmax(mem_qk, axis=-1)
    mem_qkv = jnp.einsum('bhtk,bhtkd->bhtd', mem_qk, mem_v)  # [B, H, T, C]

    combined = mem_qkv * gate_bias[None] + y * (1.0 - gate_bias[None])
    out = combined.transpose(0, 2, 1, 3).reshape(b, t, ne) @ W_proj
    return out

if __name__ == "__main__":
    import jax
    _d = setup_inputs()
    print(jax.jit(kernel)(*tuple(_d.values())))

</pallas_src>

<mosaic_0001>
#map = affine_map<(d0, d1) -> (0, 0, 0)>
#map1 = affine_map<(d0, d1) -> (0)>
module attributes {stable_mosaic.version = 14 : i64} {
  func.func @_sc_gather_body(%arg0: i32, %arg1: i32, %arg2: memref<65536x2x768xf32, #tpu.memory_space<hbm>>, %arg3: memref<6144xi32, #tpu.memory_space<hbm>>, %arg4: memref<6144x2x768xf32, #tpu.memory_space<hbm>>, %arg5: memref<32xi32, #tpu.memory_space<vmem>>, %arg6: memref<32x2x768xf32, #tpu.memory_space<vmem>>, %arg7: memref<!tpu.dma_semaphore, #tpu.memory_space<semaphore_mem>>) attributes {dimension_semantics = [#tpu.dimension_semantics<core_parallel>, #tpu.dimension_semantics<subcore_parallel>], iteration_bounds = array<i64: 2, 16>, scalar_prefetch = 0 : i64, scratch_operands = 3 : i64, tpu.core_type = #tpu.core_type<sc_vector_subcore>, window_params = [{transform_indices = #map}, {transform_indices = #map1}, {transform_indices = #map}]} {
    %mul3A = arith.constant 2 : i32
    %mul3A_0 = arith.muli %arg1, %mul3A : i32
    %add3A = arith.addi %mul3A_0, %arg0 : i32
    %mul3A_1 = arith.constant 192 : i32
    %mul3A_2 = arith.muli %add3A, %mul3A_1 : i32
    %add3A_3 = arith.constant 0 : i32
    %add3A_4 = arith.addi %mul3A_2, %add3A_3 : i32
    "tpu.region"() ({
      %run_scoped3A = tpu.sem_alloc : memref<!tpu.dma_semaphore, #tpu.memory_space<semaphore_mem>>
      %dma_start3A_61 = tpu.memref_slice %arg3[%add3A_4] : memref<6144xi32, #tpu.memory_space<hbm>> -> memref<32xi32, #tpu.memory_space<hbm>>
      %dma_start3A_62 = tpu.memref_slice %arg3[%add3A_4] : memref<6144xi32, #tpu.memory_space<hbm>> -> memref<32xi32, #tpu.memory_space<hbm>>
      tpu.enqueue_dma source(%dma_start3A_62 : memref<32xi32, #tpu.memory_space<hbm>>) target(%arg5 : memref<32xi32, #tpu.memory_space<vmem>>) target_semaphore(%run_scoped3A : memref<!tpu.dma_semaphore, #tpu.memory_space<semaphore_mem>>)
      %dma_wait3A_63 = tpu.memref_slice %arg3[%add3A_4] : memref<6144xi32, #tpu.memory_space<hbm>> -> memref<32xi32, #tpu.memory_space<hbm>>
      %dma_wait3A_64 = tpu.memref_slice %arg3[%add3A_4] : memref<6144xi32, #tpu.memory_space<hbm>> -> memref<32xi32, #tpu.memory_space<hbm>>
      tpu.wait_dma2 semaphore(%run_scoped3A : memref<!tpu.dma_semaphore, #tpu.memory_space<semaphore_mem>>) src(%dma_wait3A_64 : memref<32xi32, #tpu.memory_space<hbm>>) dst(%arg5 : memref<32xi32, #tpu.memory_space<vmem>>)
      tpu.yield
    }) : () -> ()
    %dma_start3A = arith.constant 0 : i32
    %dma_start3A_5 = arith.constant 0 : i32
    %dma_start3A_6 = arith.constant 0 : i32
    %dma_start3A_7 = tpu.memref_slice %arg2[%dma_start3A, %dma_start3A_5, %dma_start3A_6] : memref<65536x2x768xf32, #tpu.memory_space<hbm>> -> memref<65536x2x768xf32, #tpu.memory_space<hbm>>
    tpu.enqueue_indirect_dma source(%dma_start3A_7 : memref<65536x2x768xf32, #tpu.memory_space<hbm>>) target(%arg6 : memref<32x2x768xf32, #tpu.memory_space<vmem>>) offsets(%arg5 : memref<32xi32, #tpu.memory_space<vmem>>) semaphore(%arg7 : memref<!tpu.dma_semaphore, #tpu.memory_space<semaphore_mem>>)
    %dma_wait3A = arith.constant 0 : i32
    %dma_wait3A_8 = arith.constant 0 : i32
    %dma_wait3A_9 = arith.constant 0 : i32
    %dma_wait3A_10 = tpu.memref_slice %arg2[%dma_wait3A, %dma_wait3A_8, %dma_wait3A_9] : memref<65536x2x768xf32, #tpu.memory_space<hbm>> -> memref<65536x2x768xf32, #tpu.memory_space<hbm>>
    tpu.wait_indirect_dma semaphore(%arg7 : memref<!tpu.dma_semaphore, #tpu.memory_space<semaphore_mem>>) src(%dma_wait3A_10 : memref<65536x2x768xf32, #tpu.memory_space<hbm>>) dst(%arg6 : memref<32x2x768xf32, #tpu.memory_space<vmem>>)
    "tpu.region"() ({
      %run_scoped3A = tpu.sem_alloc : memref<!tpu.dma_semaphore, #tpu.memory_space<semaphore_mem>>
      %dma_start3A_61 = arith.constant 0 : i32
      %dma_start3A_62 = arith.constant 0 : i32
      %dma_start3A_63 = tpu.memref_slice %arg4[%add3A_4, %dma_start3A_61, %dma_start3A_62] : memref<6144x2x768xf32, #tpu.memory_space<hbm>> -> memref<32x2x768xf32, #tpu.memory_space<hbm>>
      %dma_start3A_64 = arith.constant 0 : i32
      %dma_start3A_65 = arith.constant 0 : i32
      %dma_start3A_66 = tpu.memref_slice %arg4[%add3A_4, %dma_start3A_64, %dma_start3A_65] : memref<6144x2x768xf32, #tpu.memory_space<hbm>> -> memref<32x2x768xf32, #tpu.memory_space<hbm>>
      tpu.enqueue_dma source(%arg6 : memref<32x2x768xf32, #tpu.memory_space<vmem>>) target(%dma_start3A_66 : memref<32x2x768xf32, #tpu.memory_space<hbm>>) target_semaphore(%run_scoped3A : memref<!tpu.dma_semaphore, #tpu.memory_space<semaphore_mem>>)
      %dma_wait3A_67 = arith.constant 0 : i32
      %dma_wait3A_68 = arith.constant 0 : i32
      %dma_wait3A_69 = tpu.memref_slice %arg4[%add3A_4, %dma_wait3A_67, %dma_wait3A_68] : memref<6144x2x768xf32, #tpu.memory_space<hbm>> -> memref<32x2x768xf32, #tpu.memory_space<hbm>>
      %dma_wait3A_70 = arith.constant 0 : i32
      %dma_wait3A_71 = arith.constant 0 : i32
      %dma_wait3A_72 = tpu.memref_slice %arg4[%add3A_4, %dma_wait3A_70, %dma_wait3A_71] : memref<6144x2x768xf32, #tpu.memory_space<hbm>> -> memref<32x2x768xf32, #tpu.memory_space<hbm>>
      tpu.wait_dma2 semaphore(%run_scoped3A : memref<!tpu.dma_semaphore, #tpu.memory_space<semaphore_mem>>) src(%arg6 : memref<32x2x768xf32, #tpu.memory_space<vmem>>) dst(%dma_wait3A_72 : memref<32x2x768xf32, #tpu.memory_space<hbm>>)
      tpu.yield
    }) : () -> ()
    %add3A_11 = arith.constant 32 : i32
    %add3A_12 = arith.addi %mul3A_2, %add3A_11 : i32
    "tpu.region"() ({
      %run_scoped3A = tpu.sem_alloc : memref<!tpu.dma_semaphore, #tpu.memory_space<semaphore_mem>>
      %dma_start3A_61 = tpu.memref_slice %arg3[%add3A_12] : memref<6144xi32, #tpu.memory_space<hbm>> -> memref<32xi32, #tpu.memory_space<hbm>>
      %dma_start3A_62 = tpu.memref_slice %arg3[%add3A_12] : memref<6144xi32, #tpu.memory_space<hbm>> -> memref<32xi32, #tpu.memory_space<hbm>>
      tpu.enqueue_dma source(%dma_start3A_62 : memref<32xi32, #tpu.memory_space<hbm>>) target(%arg5 : memref<32xi32, #tpu.memory_space<vmem>>) target_semaphore(%run_scoped3A : memref<!tpu.dma_semaphore, #tpu.memory_space<semaphore_mem>>)
      %dma_wait3A_63 = tpu.memref_slice %arg3[%add3A_12] : memref<6144xi32, #tpu.memory_space<hbm>> -> memref<32xi32, #tpu.memory_space<hbm>>
      %dma_wait3A_64 = tpu.memref_slice %arg3[%add3A_12] : memref<6144xi32, #tpu.memory_space<hbm>> -> memref<32xi32, #tpu.memory_space<hbm>>
      tpu.wait_dma2 semaphore(%run_scoped3A : memref<!tpu.dma_semaphore, #tpu.memory_space<semaphore_mem>>) src(%dma_wait3A_64 : memref<32xi32, #tpu.memory_space<hbm>>) dst(%arg5 : memref<32xi32, #tpu.memory_space<vmem>>)
      tpu.yield
    }) : () -> ()
    %dma_start3A_13 = arith.constant 0 : i32
    %dma_start3A_14 = arith.constant 0 : i32
    %dma_start3A_15 = arith.constant 0 : i32
    %dma_start3A_16 = tpu.memref_slice %arg2[%dma_start3A_13, %dma_start3A_14, %dma_start3A_15] : memref<65536x2x768xf32, #tpu.memory_space<hbm>> -> memref<65536x2x768xf32, #tpu.memory_space<hbm>>
    tpu.enqueue_indirect_dma source(%dma_start3A_16 : memref<65536x2x768xf32, #tpu.memory_space<hbm>>) target(%arg6 : memref<32x2x768xf32, #tpu.memory_space<vmem>>) offsets(%arg5 : memref<32xi32, #tpu.memory_space<vmem>>) semaphore(%arg7 : memref<!tpu.dma_semaphore, #tpu.memory_space<semaphore_mem>>)
    %dma_wait3A_17 = arith.constant 0 : i32
    %dma_wait3A_18 = arith.constant 0 : i32
    %dma_wait3A_19 = arith.constant 0 : i32
    %dma_wait3A_20 = tpu.memref_slice %arg2[%dma_wait3A_17, %dma_wait3A_18, %dma_wait3A_19] : memref<65536x2x768xf32, #tpu.memory_space<hbm>> -> memref<65536x2x768xf32, #tpu.memory_space<hbm>>
    tpu.wait_indirect_dma semaphore(%arg7 : memref<!tpu.dma_semaphore, #tpu.memory_space<semaphore_mem>>) src(%dma_wait3A_20 : memref<65536x2x768xf32, #tpu.memory_space<hbm>>) dst(%arg6 : memref<32x2x768xf32, #tpu.memory_space<vmem>>)
    "tpu.region"() ({
      %run_scoped3A = tpu.sem_alloc : memref<!tpu.dma_semaphore, #tpu.memory_space<semaphore_mem>>
      %dma_start3A_61 = arith.constant 0 : i32
      %dma_start3A_62 = arith.constant 0 : i32
      %dma_start3A_63 = tpu.memref_slice %arg4[%add3A_12, %dma_start3A_61, %dma_start3A_62] : memref<6144x2x768xf32, #tpu.memory_space<hbm>> -> memref<32x2x768xf32, #tpu.memory_space<hbm>>
      %dma_start3A_64 = arith.constant 0 : i32
      %dma_start3A_65 = arith.constant 0 : i32
      %dma_start3A_66 = tpu.memref_slice %arg4[%add3A_12, %dma_start3A_64, %dma_start3A_65] : memref<6144x2x768xf32, #tpu.memory_space<hbm>> -> memref<32x2x768xf32, #tpu.memory_space<hbm>>
      tpu.enqueue_dma source(%arg6 : memref<32x2x768xf32, #tpu.memory_space<vmem>>) target(%dma_start3A_66 : memref<32x2x768xf32, #tpu.memory_space<hbm>>) target_semaphore(%run_scoped3A : memref<!tpu.dma_semaphore, #tpu.memory_space<semaphore_mem>>)
      %dma_wait3A_67 = arith.constant 0 : i32
      %dma_wait3A_68 = arith.constant 0 : i32
      %dma_wait3A_69 = tpu.memref_slice %arg4[%add3A_12, %dma_wait3A_67, %dma_wait3A_68] : memref<6144x2x768xf32, #tpu.memory_space<hbm>> -> memref<32x2x768xf32, #tpu.memory_space<hbm>>
      %dma_wait3A_70 = arith.constant 0 : i32
      %dma_wait3A_71 = arith.constant 0 : i32
      %dma_wait3A_72 = tpu.memref_slice %arg4[%add3A_12, %dma_wait3A_70, %dma_wait3A_71] : memref<6144x2x768xf32, #tpu.memory_space<hbm>> -> memref<32x2x768xf32, #tpu.memory_space<hbm>>
      tpu.wait_dma2 semaphore(%run_scoped3A : memref<!tpu.dma_semaphore, #tpu.memory_space<semaphore_mem>>) src(%arg6 : memref<32x2x768xf32, #tpu.memory_space<vmem>>) dst(%dma_wait3A_72 : memref<32x2x768xf32, #tpu.memory_space<hbm>>)
      tpu.yield
    }) : () -> ()
    %add3A_21 = arith.constant 64 : i32
    %add3A_22 = arith.addi %mul3A_2, %add3A_21 : i32
    "tpu.region"() ({
      %run_scoped3A = tpu.sem_alloc : memref<!tpu.dma_semaphore, #tpu.memory_space<semaphore_mem>>
      %dma_start3A_61 = tpu.memref_slice %arg3[%add3A_22] : memref<6144xi32, #tpu.memory_space<hbm>> -> memref<32xi32, #tpu.memory_space<hbm>>
      %dma_start3A_62 = tpu.memref_slice %arg3[%add3A_22] : memref<6144xi32, #tpu.memory_space<hbm>> -> memref<32xi32, #tpu.memory_space<hbm>>
      tpu.enqueue_dma source(%dma_start3A_62 : memref<32xi32, #tpu.memory_space<hbm>>) target(%arg5 : memref<32xi32, #tpu.memory_space<vmem>>) target_semaphore(%run_scoped3A : memref<!tpu.dma_semaphore, #tpu.memory_space<semaphore_mem>>)
      %dma_wait3A_63 = tpu.memref_slice %arg3[%add3A_22] : memref<6144xi32, #tpu.memory_space<hbm>> -> memref<32xi32, #tpu.memory_space<hbm>>
      %dma_wait3A_64 = tpu.memref_slice %arg3[%add3A_22] : memref<6144xi32, #tpu.memory_space<hbm>> -> memref<32xi32, #tpu.memory_space<hbm>>
      tpu.wait_dma2 semaphore(%run_scoped3A : memref<!tpu.dma_semaphore, #tpu.memory_space<semaphore_mem>>) src(%dma_wait3A_64 : memref<32xi32, #tpu.memory_space<hbm>>) dst(%arg5 : memref<32xi32, #tpu.memory_space<vmem>>)
      tpu.yield
    }) : () -> ()
    %dma_start3A_23 = arith.constant 0 : i32
    %dma_start3A_24 = arith.constant 0 : i32
    %dma_start3A_25 = arith.constant 0 : i32
    %dma_start3A_26 = tpu.memref_slice %arg2[%dma_start3A_23, %dma_start3A_24, %dma_start3A_25] : memref<65536x2x768xf32, #tpu.memory_space<hbm>> -> memref<65536x2x768xf32, #tpu.memory_space<hbm>>
    tpu.enqueue_indirect_dma source(%dma_start3A_26 : memref<65536x2x768xf32, #tpu.memory_space<hbm>>) target(%arg6 : memref<32x2x768xf32, #tpu.memory_space<vmem>>) offsets(%arg5 : memref<32xi32, #tpu.memory_space<vmem>>) semaphore(%arg7 : memref<!tpu.dma_semaphore, #tpu.memory_space<semaphore_mem>>)
    %dma_wait3A_27 = arith.constant 0 : i32
    %dma_wait3A_28 = arith.constant 0 : i32
    %dma_wait3A_29 = arith.constant 0 : i32
    %dma_wait3A_30 = tpu.memref_slice %arg2[%dma_wait3A_27, %dma_wait3A_28, %dma_wait3A_29] : memref<65536x2x768xf32, #tpu.memory_space<hbm>> -> memref<65536x2x768xf32, #tpu.memory_space<hbm>>
    tpu.wait_indirect_dma semaphore(%arg7 : memref<!tpu.dma_semaphore, #tpu.memory_space<semaphore_mem>>) src(%dma_wait3A_30 : memref<65536x2x768xf32, #tpu.memory_space<hbm>>) dst(%arg6 : memref<32x2x768xf32, #tpu.memory_space<vmem>>)
    "tpu.region"() ({
      %run_scoped3A = tpu.sem_alloc : memref<!tpu.dma_semaphore, #tpu.memory_space<semaphore_mem>>
      %dma_start3A_61 = arith.constant 0 : i32
      %dma_start3A_62 = arith.constant 0 : i32
      %dma_start3A_63 = tpu.memref_slice %arg4[%add3A_22, %dma_start3A_61, %dma_start3A_62] : memref<6144x2x768xf32, #tpu.memory_space<hbm>> -> memref<32x2x768xf32, #tpu.memory_space<hbm>>
      %dma_start3A_64 = arith.constant 0 : i32
      %dma_start3A_65 = arith.constant 0 : i32
      %dma_start3A_66 = tpu.memref_slice %arg4[%add3A_22, %dma_start3A_64, %dma_start3A_65] : memref<6144x2x768xf32, #tpu.memory_space<hbm>> -> memref<32x2x768xf32, #tpu.memory_space<hbm>>
      tpu.enqueue_dma source(%arg6 : memref<32x2x768xf32, #tpu.memory_space<vmem>>) target(%dma_start3A_66 : memref<32x2x768xf32, #tpu.memory_space<hbm>>) target_semaphore(%run_scoped3A : memref<!tpu.dma_semaphore, #tpu.memory_space<semaphore_mem>>)
      %dma_wait3A_67 = arith.constant 0 : i32
      %dma_wait3A_68 = arith.constant 0 : i32
      %dma_wait3A_69 = tpu.memref_slice %arg4[%add3A_22, %dma_wait3A_67, %dma_wait3A_68] : memref<6144x2x768xf32, #tpu.memory_space<hbm>> -> memref<32x2x768xf32, #tpu.memory_space<hbm>>
      %dma_wait3A_70 = arith.constant 0 : i32
      %dma_wait3A_71 = arith.constant 0 : i32
      %dma_wait3A_72 = tpu.memref_slice %arg4[%add3A_22, %dma_wait3A_70, %dma_wait3A_71] : memref<6144x2x768xf32, #tpu.memory_space<hbm>> -> memref<32x2x768xf32, #tpu.memory_space<hbm>>
      tpu.wait_dma2 semaphore(%run_scoped3A : memref<!tpu.dma_semaphore, #tpu.memory_space<semaphore_mem>>) src(%arg6 : memref<32x2x768xf32, #tpu.memory_space<vmem>>) dst(%dma_wait3A_72 : memref<32x2x768xf32, #tpu.memory_space<hbm>>)
      tpu.yield
    }) : () -> ()
    %add3A_31 = arith.constant 96 : i32
    %add3A_32 = arith.addi %mul3A_2, %add3A_31 : i32
    "tpu.region"() ({
      %run_scoped3A = tpu.sem_alloc : memref<!tpu.dma_semaphore, #tpu.memory_space<semaphore_mem>>
      %dma_start3A_61 = tpu.memref_slice %arg3[%add3A_32] : memref<6144xi32, #tpu.memory_space<hbm>> -> memref<32xi32, #tpu.memory_space<hbm>>
      %dma_start3A_62 = tpu.memref_slice %arg3[%add3A_32] : memref<6144xi32, #tpu.memory_space<hbm>> -> memref<32xi32, #tpu.memory_space<hbm>>
      tpu.enqueue_dma source(%dma_start3A_62 : memref<32xi32, #tpu.memory_space<hbm>>) target(%arg5 : memref<32xi32, #tpu.memory_space<vmem>>) target_semaphore(%run_scoped3A : memref<!tpu.dma_semaphore, #tpu.memory_space<semaphore_mem>>)
      %dma_wait3A_63 = tpu.memref_slice %arg3[%add3A_32] : memref<6144xi32, #tpu.memory_space<hbm>> -> memref<32xi32, #tpu.memory_space<hbm>>
      %dma_wait3A_64 = tpu.memref_slice %arg3[%add3A_32] : memref<6144xi32, #tpu.memory_space<hbm>> -> memref<32xi32, #tpu.memory_space<hbm>>
      tpu.wait_dma2 semaphore(%run_scoped3A : memref<!tpu.dma_semaphore, #tpu.memory_space<semaphore_mem>>) src(%dma_wait3A_64 : memref<32xi32, #tpu.memory_space<hbm>>) dst(%arg5 : memref<32xi32, #tpu.memory_space<vmem>>)
      tpu.yield
    }) : () -> ()
    %dma_start3A_33 = arith.constant 0 : i32
    %dma_start3A_34 = arith.constant 0 : i32
    %dma_start3A_35 = arith.constant 0 : i32
    %dma_start3A_36 = tpu.memref_slice %arg2[%dma_start3A_33, %dma_start3A_34, %dma_start3A_35] : memref<65536x2x768xf32, #tpu.memory_space<hbm>> -> memref<65536x2x768xf32, #tpu.memory_space<hbm>>
    tpu.enqueue_indirect_dma source(%dma_start3A_36 : memref<65536x2x768xf32, #tpu.memory_space<hbm>>) target(%arg6 : memref<32x2x768xf32, #tpu.memory_space<vmem>>) offsets(%arg5 : memref<32xi32, #tpu.memory_space<vmem>>) semaphore(%arg7 : memref<!tpu.dma_semaphore, #tpu.memory_space<semaphore_mem>>)
    %dma_wait3A_37 = arith.constant 0 : i32
    %dma_wait3A_38 = arith.constant 0 : i32
    %dma_wait3A_39 = arith.constant 0 : i32
    %dma_wait3A_40 = tpu.memref_slice %arg2[%dma_wait3A_37, %dma_wait3A_38, %dma_wait3A_39] : memref<65536x2x768xf32, #tpu.memory_space<hbm>> -> memref<65536x2x768xf32, #tpu.memory_space<hbm>>
    tpu.wait_indirect_dma semaphore(%arg7 : memref<!tpu.dma_semaphore, #tpu.memory_space<semaphore_mem>>) src(%dma_wait3A_40 : memref<65536x2x768xf32, #tpu.memory_space<hbm>>) dst(%arg6 : memref<32x2x768xf32, #tpu.memory_space<vmem>>)
    "tpu.region"() ({
      %run_scoped3A = tpu.sem_alloc : memref<!tpu.dma_semaphore, #tpu.memory_space<semaphore_mem>>
      %dma_start3A_61 = arith.constant 0 : i32
      %dma_start3A_62 = arith.constant 0 : i32
      %dma_start3A_63 = tpu.memref_slice %arg4[%add3A_32, %dma_start3A_61, %dma_start3A_62] : memref<6144x2x768xf32, #tpu.memory_space<hbm>> -> memref<32x2x768xf32, #tpu.memory_space<hbm>>
      %dma_start3A_64 = arith.constant 0 : i32
      %dma_start3A_65 = arith.constant 0 : i32
      %dma_start3A_66 = tpu.memref_slice %arg4[%add3A_32, %dma_start3A_64, %dma_start3A_65] : memref<6144x2x768xf32, #tpu.memory_space<hbm>> -> memref<32x2x768xf32, #tpu.memory_space<hbm>>
      tpu.enqueue_dma source(%arg6 : memref<32x2x768xf32, #tpu.memory_space<vmem>>) target(%dma_start3A_66 : memref<32x2x768xf32, #tpu.memory_space<hbm>>) target_semaphore(%run_scoped3A : memref<!tpu.dma_semaphore, #tpu.memory_space<semaphore_mem>>)
      %dma_wait3A_67 = arith.constant 0 : i32
      %dma_wait3A_68 = arith.constant 0 : i32
      %dma_wait3A_69 = tpu.memref_slice %arg4[%add3A_32, %dma_wait3A_67, %dma_wait3A_68] : memref<6144x2x768xf32, #tpu.memory_space<hbm>> -> memref<32x2x768xf32, #tpu.memory_space<hbm>>
      %dma_wait3A_70 = arith.constant 0 : i32
      %dma_wait3A_71 = arith.constant 0 : i32
      %dma_wait3A_72 = tpu.memref_slice %arg4[%add3A_32, %dma_wait3A_70, %dma_wait3A_71] : memref<6144x2x768xf32, #tpu.memory_space<hbm>> -> memref<32x2x768xf32, #tpu.memory_space<hbm>>
      tpu.wait_dma2 semaphore(%run_scoped3A : memref<!tpu.dma_semaphore, #tpu.memory_space<semaphore_mem>>) src(%arg6 : memref<32x2x768xf32, #tpu.memory_space<vmem>>) dst(%dma_wait3A_72 : memref<32x2x768xf32, #tpu.memory_space<hbm>>)
      tpu.yield
    }) : () -> ()
    %add3A_41 = arith.constant 128 : i32
    %add3A_42 = arith.addi %mul3A_2, %add3A_41 : i32
    "tpu.region"() ({
      %run_scoped3A = tpu.sem_alloc : memref<!tpu.dma_semaphore, #tpu.memory_space<semaphore_mem>>
      %dma_start3A_61 = tpu.memref_slice %arg3[%add3A_42] : memref<6144xi32, #tpu.memory_space<hbm>> -> memref<32xi32, #tpu.memory_space<hbm>>
      %dma_start3A_62 = tpu.memref_slice %arg3[%add3A_42] : memref<6144xi32, #tpu.memory_space<hbm>> -> memref<32xi32, #tpu.memory_space<hbm>>
      tpu.enqueue_dma source(%dma_start3A_62 : memref<32xi32, #tpu.memory_space<hbm>>) target(%arg5 : memref<32xi32, #tpu.memory_space<vmem>>) target_semaphore(%run_scoped3A : memref<!tpu.dma_semaphore, #tpu.memory_space<semaphore_mem>>)
      %dma_wait3A_63 = tpu.memref_slice %arg3[%add3A_42] : memref<6144xi32, #tpu.memory_space<hbm>> -> memref<32xi32, #tpu.memory_space<hbm>>
      %dma_wait3A_64 = tpu.memref_slice %arg3[%add3A_42] : memref<6144xi32, #tpu.memory_space<hbm>> -> memref<32xi32, #tpu.memory_space<hbm>>
      tpu.wait_dma2 semaphore(%run_scoped3A : memref<!tpu.dma_semaphore, #tpu.memory_space<semaphore_mem>>) src(%dma_wait3A_64 : memref<32xi32, #tpu.memory_space<hbm>>) dst(%arg5 : memref<32xi32, #tpu.memory_space<vmem>>)
      tpu.yield
    }) : () -> ()
    %dma_start3A_43 = arith.constant 0 : i32
    %dma_start3A_44 = arith.constant 0 : i32
    %dma_start3A_45 = arith.constant 0 : i32
    %dma_start3A_46 = tpu.memref_slice %arg2[%dma_start3A_43, %dma_start3A_44, %dma_start3A_45] : memref<65536x2x768xf32, #tpu.memory_space<hbm>> -> memref<65536x2x768xf32, #tpu.memory_space<hbm>>
    tpu.enqueue_indirect_dma source(%dma_start3A_46 : memref<65536x2x768xf32, #tpu.memory_space<hbm>>) target(%arg6 : memref<32x2x768xf32, #tpu.memory_space<vmem>>) offsets(%arg5 : memref<32xi32, #tpu.memory_space<vmem>>) semaphore(%arg7 : memref<!tpu.dma_semaphore, #tpu.memory_space<semaphore_mem>>)
    %dma_wait3A_47 = arith.constant 0 : i32
    %dma_wait3A_48 = arith.constant 0 : i32
    %dma_wait3A_49 = arith.constant 0 : i32
    %dma_wait3A_50 = tpu.memref_slice %arg2[%dma_wait3A_47, %dma_wait3A_48, %dma_wait3A_49] : memref<65536x2x768xf32, #tpu.memory_space<hbm>> -> memref<65536x2x768xf32, #tpu.memory_space<hbm>>
    tpu.wait_indirect_dma semaphore(%arg7 : memref<!tpu.dma_semaphore, #tpu.memory_space<semaphore_mem>>) src(%dma_wait3A_50 : memref<65536x2x768xf32, #tpu.memory_space<hbm>>) dst(%arg6 : memref<32x2x768xf32, #tpu.memory_space<vmem>>)
    "tpu.region"() ({
      %run_scoped3A = tpu.sem_alloc : memref<!tpu.dma_semaphore, #tpu.memory_space<semaphore_mem>>
      %dma_start3A_61 = arith.constant 0 : i32
      %dma_start3A_62 = arith.constant 0 : i32
      %dma_start3A_63 = tpu.memref_slice %arg4[%add3A_42, %dma_start3A_61, %dma_start3A_62] : memref<6144x2x768xf32, #tpu.memory_space<hbm>> -> memref<32x2x768xf32, #tpu.memory_space<hbm>>
      %dma_start3A_64 = arith.constant 0 : i32
      %dma_start3A_65 = arith.constant 0 : i32
      %dma_start3A_66 = tpu.memref_slice %arg4[%add3A_42, %dma_start3A_64, %dma_start3A_65] : memref<6144x2x768xf32, #tpu.memory_space<hbm>> -> memref<32x2x768xf32, #tpu.memory_space<hbm>>
      tpu.enqueue_dma source(%arg6 : memref<32x2x768xf32, #tpu.memory_space<vmem>>) target(%dma_start3A_66 : memref<32x2x768xf32, #tpu.memory_space<hbm>>) target_semaphore(%run_scoped3A : memref<!tpu.dma_semaphore, #tpu.memory_space<semaphore_mem>>)
      %dma_wait3A_67 = arith.constant 0 : i32
      %dma_wait3A_68 = arith.constant 0 : i32
      %dma_wait3A_69 = tpu.memref_slice %arg4[%add3A_42, %dma_wait3A_67, %dma_wait3A_68] : memref<6144x2x768xf32, #tpu.memory_space<hbm>> -> memref<32x2x768xf32, #tpu.memory_space<hbm>>
      %dma_wait3A_70 = arith.constant 0 : i32
      %dma_wait3A_71 = arith.constant 0 : i32
      %dma_wait3A_72 = tpu.memref_slice %arg4[%add3A_42, %dma_wait3A_70, %dma_wait3A_71] : memref<6144x2x768xf32, #tpu.memory_space<hbm>> -> memref<32x2x768xf32, #tpu.memory_space<hbm>>
      tpu.wait_dma2 semaphore(%run_scoped3A : memref<!tpu.dma_semaphore, #tpu.memory_space<semaphore_mem>>) src(%arg6 : memref<32x2x768xf32, #tpu.memory_space<vmem>>) dst(%dma_wait3A_72 : memref<32x2x768xf32, #tpu.memory_space<hbm>>)
      tpu.yield
    }) : () -> ()
    %add3A_51 = arith.constant 160 : i32
    %add3A_52 = arith.addi %mul3A_2, %add3A_51 : i32
    "tpu.region"() ({
      %run_scoped3A = tpu.sem_alloc : memref<!tpu.dma_semaphore, #tpu.memory_space<semaphore_mem>>
      %dma_start3A_61 = tpu.memref_slice %arg3[%add3A_52] : memref<6144xi32, #tpu.memory_space<hbm>> -> memref<32xi32, #tpu.memory_space<hbm>>
      %dma_start3A_62 = tpu.memref_slice %arg3[%add3A_52] : memref<6144xi32, #tpu.memory_space<hbm>> -> memref<32xi32, #tpu.memory_space<hbm>>
      tpu.enqueue_dma source(%dma_start3A_62 : memref<32xi32, #tpu.memory_space<hbm>>) target(%arg5 : memref<32xi32, #tpu.memory_space<vmem>>) target_semaphore(%run_scoped3A : memref<!tpu.dma_semaphore, #tpu.memory_space<semaphore_mem>>)
      %dma_wait3A_63 = tpu.memref_slice %arg3[%add3A_52] : memref<6144xi32, #tpu.memory_space<hbm>> -> memref<32xi32, #tpu.memory_space<hbm>>
      %dma_wait3A_64 = tpu.memref_slice %arg3[%add3A_52] : memref<6144xi32, #tpu.memory_space<hbm>> -> memref<32xi32, #tpu.memory_space<hbm>>
      tpu.wait_dma2 semaphore(%run_scoped3A : memref<!tpu.dma_semaphore, #tpu.memory_space<semaphore_mem>>) src(%dma_wait3A_64 : memref<32xi32, #tpu.memory_space<hbm>>) dst(%arg5 : memref<32xi32, #tpu.memory_space<vmem>>)
      tpu.yield
    }) : () -> ()
    %dma_start3A_53 = arith.constant 0 : i32
    %dma_start3A_54 = arith.constant 0 : i32
    %dma_start3A_55 = arith.constant 0 : i32
    %dma_start3A_56 = tpu.memref_slice %arg2[%dma_start3A_53, %dma_start3A_54, %dma_start3A_55] : memref<65536x2x768xf32, #tpu.memory_space<hbm>> -> memref<65536x2x768xf32, #tpu.memory_space<hbm>>
    tpu.enqueue_indirect_dma source(%dma_start3A_56 : memref<65536x2x768xf32, #tpu.memory_space<hbm>>) target(%arg6 : memref<32x2x768xf32, #tpu.memory_space<vmem>>) offsets(%arg5 : memref<32xi32, #tpu.memory_space<vmem>>) semaphore(%arg7 : memref<!tpu.dma_semaphore, #tpu.memory_space<semaphore_mem>>)
    %dma_wait3A_57 = arith.constant 0 : i32
    %dma_wait3A_58 = arith.constant 0 : i32
    %dma_wait3A_59 = arith.constant 0 : i32
    %dma_wait3A_60 = tpu.memref_slice %arg2[%dma_wait3A_57, %dma_wait3A_58, %dma_wait3A_59] : memref<65536x2x768xf32, #tpu.memory_space<hbm>> -> memref<65536x2x768xf32, #tpu.memory_space<hbm>>
    tpu.wait_indirect_dma semaphore(%arg7 : memref<!tpu.dma_semaphore, #tpu.memory_space<semaphore_mem>>) src(%dma_wait3A_60 : memref<65536x2x768xf32, #tpu.memory_space<hbm>>) dst(%arg6 : memref<32x2x768xf32, #tpu.memory_space<vmem>>)
    "tpu.region"() ({
      %run_scoped3A = tpu.sem_alloc : memref<!tpu.dma_semaphore, #tpu.memory_space<semaphore_mem>>
      %dma_start3A_61 = arith.constant 0 : i32
      %dma_start3A_62 = arith.constant 0 : i32
      %dma_start3A_63 = tpu.memref_slice %arg4[%add3A_52, %dma_start3A_61, %dma_start3A_62] : memref<6144x2x768xf32, #tpu.memory_space<hbm>> -> memref<32x2x768xf32, #tpu.memory_space<hbm>>
      %dma_start3A_64 = arith.constant 0 : i32
      %dma_start3A_65 = arith.constant 0 : i32
      %dma_start3A_66 = tpu.memref_slice %arg4[%add3A_52, %dma_start3A_64, %dma_start3A_65] : memref<6144x2x768xf32, #tpu.memory_space<hbm>> -> memref<32x2x768xf32, #tpu.memory_space<hbm>>
      tpu.enqueue_dma source(%arg6 : memref<32x2x768xf32, #tpu.memory_space<vmem>>) target(%dma_start3A_66 : memref<32x2x768xf32, #tpu.memory_space<hbm>>) target_semaphore(%run_scoped3A : memref<!tpu.dma_semaphore, #tpu.memory_space<semaphore_mem>>)
      %dma_wait3A_67 = arith.constant 0 : i32
      %dma_wait3A_68 = arith.constant 0 : i32
      %dma_wait3A_69 = tpu.memref_slice %arg4[%add3A_52, %dma_wait3A_67, %dma_wait3A_68] : memref<6144x2x768xf32, #tpu.memory_space<hbm>> -> memref<32x2x768xf32, #tpu.memory_space<hbm>>
      %dma_wait3A_70 = arith.constant 0 : i32
      %dma_wait3A_71 = arith.constant 0 : i32
      %dma_wait3A_72 = tpu.memref_slice %arg4[%add3A_52, %dma_wait3A_70, %dma_wait3A_71] : memref<6144x2x768xf32, #tpu.memory_space<hbm>> -> memref<32x2x768xf32, #tpu.memory_space<hbm>>
      tpu.wait_dma2 semaphore(%run_scoped3A : memref<!tpu.dma_semaphore, #tpu.memory_space<semaphore_mem>>) src(%arg6 : memref<32x2x768xf32, #tpu.memory_space<vmem>>) dst(%dma_wait3A_72 : memref<32x2x768xf32, #tpu.memory_space<hbm>>)
      tpu.yield
    }) : () -> ()
    return
  }
}

module attributes {stable_mosaic.version = 14 : i64} {
  func.func @_qkv_body(%arg0: i32, %arg1: memref<2048x768xf32, #tpu.memory_space<vmem>>, %arg2: memref<768x768xf32, #tpu.memory_space<vmem>>, %arg3: memref<2048x768xf32, #tpu.memory_space<vmem>>) attributes {dimension_semantics = [#tpu.dimension_semantics<arbitrary>], iteration_bounds = array<i64: 3>, scalar_prefetch = 0 : i64, scratch_operands = 0 : i64, tpu.core_type = #tpu.core_type<tc>, window_params = [{pipeline_mode = #tpu.pipeline_mode<synchronous>, transform_indices = @transform_0, window_bounds = array<i64: 2048, 768>}, {transform_indices = @transform_1, window_bounds = array<i64: 768, 768>}, {transform_indices = @transform_2, window_bounds = array<i64: 2048, 768>}]} {
    %get3A = arith.constant 0 : index
    %get3A_0 = arith.constant 0 : index
    %get3A_1 = vector.load %arg1[%get3A, %get3A_0] : memref<2048x768xf32, #tpu.memory_space<vmem>>, vector<2048x768xf32>
    %get3A_2 = arith.constant 0 : index
    %get3A_3 = arith.constant 0 : index
    %get3A_4 = vector.load %arg2[%get3A_2, %get3A_3] : memref<768x768xf32, #tpu.memory_space<vmem>>, vector<768x768xf32>
    %dot_general3A = arith.constant dense<0.000000e+00> : vector<2048x768xf32>
    %dot_general3A_5 = tpu.matmul %get3A_1, %get3A_4, %dot_general3A {dimension_numbers = #tpu.dot_dimension_numbers<[1], [0], [0], [1], [0, 0, 1, 1], [], []>, transpose_lhs_hint = false} : vector<2048x768xf32>, vector<768x768xf32>, vector<2048x768xf32> -> vector<2048x768xf32>
    %swap3A = arith.constant 0 : index
    %swap3A_6 = arith.constant 0 : index
    %swap3A_7 = vector.load %arg3[%swap3A, %swap3A_6] : memref<2048x768xf32, #tpu.memory_space<vmem>>, vector<2048x768xf32>
    tpu.vector_store %arg3[%swap3A, %swap3A_6], %dot_general3A_5 {strides = array<i32>} : memref<2048x768xf32, #tpu.memory_space<vmem>>, vector<2048x768xf32>,
    return
  }
  func.func @transform_0(%arg0: i32) -> (i32, i32) {
    %c0_i32 = arith.constant 0 : i32
    %c0_i32_0 = arith.constant 0 : i32
    %c0_i32_1 = arith.constant 0 : i32
    return %c0_i32, %c0_i32_0 : i32, i32
  }
  func.func @transform_1(%arg0: i32) -> (i32, i32) {
    %c0_i32 = arith.constant 0 : i32
    %c0_i32_0 = arith.constant 0 : i32
    return %c0_i32, %arg0 : i32, i32
  }
  func.func @transform_2(%arg0: i32) -> (i32, i32) {
    %c0_i32 = arith.constant 0 : i32
    %c0_i32_0 = arith.constant 0 : i32
    return %c0_i32, %arg0 : i32, i32
  }
}

module attributes {stable_mosaic.version = 14 : i64} {
  func.func @_search_body(%arg0: i32, %arg1: memref<2048x768xf32, #tpu.memory_space<vmem>>, %arg2: memref<1x65536x2x768xf32, #tpu.memory_space<any>>, %arg3: memref<8x2048xi32, #tpu.memory_space<vmem>>, %arg4: memref<8x2048xf32, #tpu.memory_space<vmem>>, %arg5: memref<8x2048xf32, #tpu.memory_space<vmem>>, %arg6: memref<2x2048x768xf32, #tpu.memory_space<vmem>>, %arg7: memref<2x!tpu.dma_semaphore, #tpu.memory_space<semaphore_mem>>) attributes {dimension_semantics = [#tpu.dimension_semantics<arbitrary>], iteration_bounds = array<i64: 32>, scalar_prefetch = 0 : i64, scratch_operands = 4 : i64, tpu.core_type = #tpu.core_type<tc>, window_params = [{transform_indices = @transform_0, window_bounds = array<i64: 2048, 768>}, {}, {pipeline_mode = #tpu.pipeline_mode<synchronous>, transform_indices = @transform_2, window_bounds = array<i64: 8, 2048>}]} {
    %eq3A = arith.constant 0 : i32
    %eq3A_0 = arith.cmpi eq, %arg0, %eq3A : i32
    %convert_element_type3A = arith.extui %eq3A_0 : i1 to i32
    %cond3A = arith.constant 0 : i32
    %cond3A_1 = arith.cmpi ne, %convert_element_type3A, %cond3A : i32
    scf.if %cond3A_1 {
      %broadcast_in_dim3A_165 = arith.constant -1.000000e+09 : f32
      %broadcast_in_dim3A_166 = vector.broadcast %broadcast_in_dim3A_165 : f32 to vector<8x2048xf32>
      %swap3A_167 = arith.constant 0 : index
      %swap3A_168 = arith.constant 0 : index
      %swap3A_169 = vector.load %arg4[%swap3A_167, %swap3A_168] : memref<8x2048xf32, #tpu.memory_space<vmem>>, vector<8x2048xf32>
      tpu.vector_store %arg4[%swap3A_167, %swap3A_168], %broadcast_in_dim3A_166 {strides = array<i32>} : memref<8x2048xf32, #tpu.memory_space<vmem>>, vector<8x2048xf32>,
      %broadcast_in_dim3A_170 = arith.constant 1.000000e+09 : f32
      %broadcast_in_dim3A_171 = vector.broadcast %broadcast_in_dim3A_170 : f32 to vector<8x2048xf32>
      %swap3A_172 = arith.constant 0 : index
      %swap3A_173 = arith.constant 0 : index
      %swap3A_174 = vector.load %arg5[%swap3A_172, %swap3A_173] : memref<8x2048xf32, #tpu.memory_space<vmem>>, vector<8x2048xf32>
      tpu.vector_store %arg5[%swap3A_172, %swap3A_173], %broadcast_in_dim3A_171 {strides = array<i32>} : memref<8x2048xf32, #tpu.memory_space<vmem>>, vector<8x2048xf32>,
      %dma_start3A = arith.constant 0 : i32
      %dma_start3A_175 = arith.constant 0 : i32
      %dma_start3A_176 = arith.constant 0 : i32
      %dma_start3A_177 = arith.constant 0 : i32
      %dma_start3A_178 = tpu.memref_slice %arg7[%dma_start3A_177] : memref<2x!tpu.dma_semaphore, #tpu.memory_space<semaphore_mem>> -> memref<1x!tpu.dma_semaphore, #tpu.memory_space<semaphore_mem>>
      %dma_start3A_179 = tpu.memref_squeeze %dma_start3A_178 : memref<1x!tpu.dma_semaphore, #tpu.memory_space<semaphore_mem>> -> memref<!tpu.dma_semaphore, #tpu.memory_space<semaphore_mem>>
      %dma_start3A_180 = arith.constant 0 : i32
      %dma_start3A_181 = arith.constant 0 : i32
      %dma_start3A_182 = tpu.memref_slice %arg6[%dma_start3A_176, %dma_start3A_180, %dma_start3A_181] : memref<2x2048x768xf32, #tpu.memory_space<vmem>> -> memref<1x2048x768xf32, #tpu.memory_space<vmem>>
      %dma_start3A_183 = tpu.memref_squeeze %dma_start3A_182 : memref<1x2048x768xf32, #tpu.memory_space<vmem>> -> memref<2048x768xf32, #tpu.memory_space<vmem>>
      %dma_start3A_184 = arith.constant 0 : i32
      %dma_start3A_185 = arith.constant 0 : i32
      %dma_start3A_186 = tpu.memref_slice %arg2[%dma_start3A, %dma_start3A_184, %dma_start3A_175, %dma_start3A_185] : memref<1x65536x2x768xf32, #tpu.memory_space<any>> -> memref<1x2048x1x768xf32, #tpu.memory_space<any>>
      %dma_start3A_187 = tpu.memref_squeeze %dma_start3A_186 : memref<1x2048x1x768xf32, #tpu.memory_space<any>> -> memref<2048x768xf32, #tpu.memory_space<any>>
      tpu.enqueue_dma source(%dma_start3A_187 : memref<2048x768xf32, #tpu.memory_space<any>>) target(%dma_start3A_183 : memref<2048x768xf32, #tpu.memory_space<vmem>>) target_semaphore(%dma_start3A_179 : memref<!tpu.dma_semaphore, #tpu.memory_space<semaphore_mem>>)
    } else {
    }
    %add3A = arith.constant 1 : i32
    %add3A_2 = arith.addi %arg0, %add3A : i32
    %lt3A = arith.constant 32 : i32
    %lt3A_3 = arith.cmpi slt, %add3A_2, %lt3A : i32
    %convert_element_type3A_4 = arith.extui %lt3A_3 : i1 to i32
    %cond3A_5 = arith.constant 0 : i32
    %cond3A_6 = arith.cmpi ne, %convert_element_type3A_4, %cond3A_5 : i32
    scf.if %cond3A_6 {
      %add3A_165 = arith.constant 1 : i32
      %add3A_166 = arith.addi %arg0, %add3A_165 : i32
      %add3A_167 = arith.constant 1 : i32
      %add3A_168 = arith.addi %arg0, %add3A_167 : i32
      %jit3A_169 = arith.constant 2 : i32
      %eq3A_170 = arith.constant 0 : i32
      %eq3A_171 = arith.cmpi eq, %jit3A_169, %eq3A_170 : i32
      %jit3A_172 = arith.constant 1 : i32
      %select_n3A_173 = arith.select %eq3A_171, %jit3A_172, %jit3A_169 : i32
      %rem3A_174 = arith.remsi %add3A_168, %select_n3A_173 : i32
      %ne3A_175 = arith.constant 0 : i32
      %ne3A_176 = arith.cmpi ne, %rem3A_174, %ne3A_175 : i32
      %lt3A_177 = arith.constant 0 : i32
      %lt3A_178 = arith.cmpi slt, %rem3A_174, %lt3A_177 : i32
      %lt3A_179 = arith.constant 0 : i32
      %lt3A_180 = arith.cmpi slt, %select_n3A_173, %lt3A_179 : i32
      %ne3A_181 = arith.xori %lt3A_178, %lt3A_180 : i1
      %and3A_182 = arith.andi %ne3A_181, %ne3A_176 : i1
      %add3A_183 = arith.addi %rem3A_174, %select_n3A_173 : i32
      %select_n3A_184 = arith.select %and3A_182, %add3A_183, %rem3A_174 : i32
      %mul3A_185 = arith.constant 2048 : i32
      %mul3A_186 = arith.muli %add3A_166, %mul3A_185 : i32
      %dma_start3A = arith.constant 0 : i32
      %dma_start3A_187 = arith.constant 0 : i32
      %dma_start3A_188 = tpu.memref_slice %arg7[%select_n3A_184] : memref<2x!tpu.dma_semaphore, #tpu.memory_space<semaphore_mem>> -> memref<1x!tpu.dma_semaphore, #tpu.memory_space<semaphore_mem>>
      %dma_start3A_189 = tpu.memref_squeeze %dma_start3A_188 : memref<1x!tpu.dma_semaphore, #tpu.memory_space<semaphore_mem>> -> memref<!tpu.dma_semaphore, #tpu.memory_space<semaphore_mem>>
      %dma_start3A_190 = arith.constant 0 : i32
      %dma_start3A_191 = arith.constant 0 : i32
      %dma_start3A_192 = tpu.memref_slice %arg6[%select_n3A_184, %dma_start3A_190, %dma_start3A_191] : memref<2x2048x768xf32, #tpu.memory_space<vmem>> -> memref<1x2048x768xf32, #tpu.memory_space<vmem>>
      %dma_start3A_193 = tpu.memref_squeeze %dma_start3A_192 : memref<1x2048x768xf32, #tpu.memory_space<vmem>> -> memref<2048x768xf32, #tpu.memory_space<vmem>>
      %dma_start3A_194 = arith.constant 0 : i32
      %dma_start3A_195 = tpu.memref_slice %arg2[%dma_start3A, %mul3A_186, %dma_start3A_187, %dma_start3A_194] : memref<1x65536x2x768xf32, #tpu.memory_space<any>> -> memref<1x2048x1x768xf32, #tpu.memory_space<any>>
      %dma_start3A_196 = tpu.memref_squeeze %dma_start3A_195 : memref<1x2048x1x768xf32, #tpu.memory_space<any>> -> memref<2048x768xf32, #tpu.memory_space<any>>
      tpu.enqueue_dma source(%dma_start3A_196 : memref<2048x768xf32, #tpu.memory_space<any>>) target(%dma_start3A_193 : memref<2048x768xf32, #tpu.memory_space<vmem>>) target_semaphore(%dma_start3A_189 : memref<!tpu.dma_semaphore, #tpu.memory_space<semaphore_mem>>)
    } else {
    }
    %jit3A = arith.constant 2 : i32
    %eq3A_7 = arith.constant 0 : i32
    %eq3A_8 = arith.cmpi eq, %jit3A, %eq3A_7 : i32
    %jit3A_9 = arith.constant 1 : i32
    %select_n3A = arith.select %eq3A_8, %jit3A_9, %jit3A : i32
    %rem3A = arith.remsi %arg0, %select_n3A : i32
    %ne3A = arith.constant 0 : i32
    %ne3A_10 = arith.cmpi ne, %rem3A, %ne3A : i32
    %lt3A_11 = arith.constant 0 : i32
    %lt3A_12 = arith.cmpi slt, %rem3A, %lt3A_11 : i32
    %lt3A_13 = arith.constant 0 : i32
    %lt3A_14 = arith.cmpi slt, %select_n3A, %lt3A_13 : i32
    %ne3A_15 = arith.xori %lt3A_12, %lt3A_14 : i1
    %and3A = arith.andi %ne3A_15, %ne3A_10 : i1
    %add3A_16 = arith.addi %rem3A, %select_n3A : i32
    %select_n3A_17 = arith.select %and3A, %add3A_16, %rem3A : i32
    %mul3A = arith.constant 2048 : i32
    %mul3A_18 = arith.muli %arg0, %mul3A : i32
    %dma_wait3A = arith.constant 0 : i32
    %dma_wait3A_19 = arith.constant 0 : i32
    %dma_wait3A_20 = tpu.memref_slice %arg7[%select_n3A_17] : memref<2x!tpu.dma_semaphore, #tpu.memory_space<semaphore_mem>> -> memref<1x!tpu.dma_semaphore, #tpu.memory_space<semaphore_mem>>
    %dma_wait3A_21 = tpu.memref_squeeze %dma_wait3A_20 : memref<1x!tpu.dma_semaphore, #tpu.memory_space<semaphore_mem>> -> memref<!tpu.dma_semaphore, #tpu.memory_space<semaphore_mem>>
    %dma_wait3A_22 = arith.constant 0 : i32
    %dma_wait3A_23 = arith.constant 0 : i32
    %dma_wait3A_24 = tpu.memref_slice %arg6[%select_n3A_17, %dma_wait3A_22, %dma_wait3A_23] : memref<2x2048x768xf32, #tpu.memory_space<vmem>> -> memref<1x2048x768xf32, #tpu.memory_space<vmem>>
    %dma_wait3A_25 = tpu.memref_squeeze %dma_wait3A_24 : memref<1x2048x768xf32, #tpu.memory_space<vmem>> -> memref<2048x768xf32, #tpu.memory_space<vmem>>
    %dma_wait3A_26 = arith.constant 0 : i32
    %dma_wait3A_27 = tpu.memref_slice %arg2[%dma_wait3A, %mul3A_18, %dma_wait3A_19, %dma_wait3A_26] : memref<1x65536x2x768xf32, #tpu.memory_space<any>> -> memref<1x2048x1x768xf32, #tpu.memory_space<any>>
    %dma_wait3A_28 = tpu.memref_squeeze %dma_wait3A_27 : memref<1x2048x1x768xf32, #tpu.memory_space<any>> -> memref<2048x768xf32, #tpu.memory_space<any>>
    tpu.wait_dma2 semaphore(%dma_wait3A_21 : memref<!tpu.dma_semaphore, #tpu.memory_space<semaphore_mem>>) src(%dma_wait3A_28 : memref<2048x768xf32, #tpu.memory_space<any>>) dst(%dma_wait3A_25 : memref<2048x768xf32, #tpu.memory_space<vmem>>)
    %get3A = arith.constant 0 : index
    %get3A_29 = arith.constant 0 : index
    %get3A_30 = vector.load %arg1[%get3A, %get3A_29] : memref<2048x768xf32, #tpu.memory_space<vmem>>, vector<2048x768xf32>
    %jit3A_31 = arith.constant 2 : i32
    %eq3A_32 = arith.constant 0 : i32
    %eq3A_33 = arith.cmpi eq, %jit3A_31, %eq3A_32 : i32
    %jit3A_34 = arith.constant 1 : i32
    %select_n3A_35 = arith.select %eq3A_33, %jit3A_34, %jit3A_31 : i32
    %rem3A_36 = arith.remsi %arg0, %select_n3A_35 : i32
    %ne3A_37 = arith.constant 0 : i32
    %ne3A_38 = arith.cmpi ne, %rem3A_36, %ne3A_37 : i32
    %lt3A_39 = arith.constant 0 : i32
    %lt3A_40 = arith.cmpi slt, %rem3A_36, %lt3A_39 : i32
    %lt3A_41 = arith.constant 0 : i32
    %lt3A_42 = arith.cmpi slt, %select_n3A_35, %lt3A_41 : i32
    %ne3A_43 = arith.xori %lt3A_40, %lt3A_42 : i1
    %and3A_44 = arith.andi %ne3A_43, %ne3A_38 : i1
    %add3A_45 = arith.addi %rem3A_36, %select_n3A_35 : i32
    %select_n3A_46 = arith.select %and3A_44, %add3A_45, %rem3A_36 : i32
    %get3A_47 = arith.index_cast %select_n3A_46 : i32 to index
    %get3A_48 = arith.constant 0 : index
    %get3A_49 = arith.constant 0 : index
    %get3A_50 = vector.load %arg6[%get3A_47, %get3A_48, %get3A_49] : memref<2x2048x768xf32, #tpu.memory_space<vmem>>, vector<1x2048x768xf32>
    %get3A_51 = vector.shape_cast %get3A_50 : vector<1x2048x768xf32> to vector<2048x768xf32>
    %dot_general3A = arith.constant dense<0.000000e+00> : vector<2048x2048xf32>
    %dot_general3A_52 = tpu.matmul %get3A_51, %get3A_30, %dot_general3A {dimension_numbers = #tpu.dot_dimension_numbers<[1], [1], [0], [0], [0, 0, 1, 0], [], []>, transpose_lhs_hint = false} : vector<2048x768xf32>, vector<2048x768xf32>, vector<2048x2048xf32> -> vector<2048x2048xf32>
    %iota3A = tpu.iota {dimensions = array<i32: 0>} : vector<2048x1xi32>
    %convert_element_type3A_53 = arith.sitofp %iota3A : vector<2048x1xi32> to vector<2048x1xf32>
    %mul3A_54 = arith.constant 2048 : i32
    %mul3A_55 = arith.muli %arg0, %mul3A_54 : i32
    %convert_element_type3A_56 = arith.sitofp %mul3A_55 : i32 to f32
    %reduce_max3A = arith.constant dense<0xFF800000> : vector<2048xf32>
    %reduce_max3A_57 = vector.multi_reduction <maximumf>, %dot_general3A_52, %reduce_max3A [0] : vector<2048x2048xf32> to vector<2048xf32>
    %broadcast_in_dim3A = vector.shape_cast %reduce_max3A_57 : vector<2048xf32> to vector<1x2048xf32>
    %eq3A_58 = vector.broadcast %broadcast_in_dim3A : vector<1x2048xf32> to vector<2048x2048xf32>
    %eq3A_59 = arith.cmpf oeq, %dot_general3A_52, %eq3A_58 : vector<2048x2048xf32>
    %jit3A_60 = arith.constant 1.000000e+09 : f32
    %broadcast_in_dim3A_61 = vector.shape_cast %convert_element_type3A_53 : vector<2048x1xf32> to vector<2048x1xf32>
    %broadcast_in_dim3A_62 = vector.broadcast %broadcast_in_dim3A_61 : vector<2048x1xf32> to vector<2048x2048xf32>
    %broadcast_in_dim3A_63 = vector.broadcast %jit3A_60 : f32 to vector<2048x2048xf32>
    %select_n3A_64 = arith.select %eq3A_59, %broadcast_in_dim3A_62, %broadcast_in_dim3A_63 : vector<2048x2048xi1>, vector<2048x2048xf32>
    %reduce_min3A = arith.constant dense<0x7F800000> : vector<2048xf32>
    %reduce_min3A_65 = vector.multi_reduction <minimumf>, %select_n3A_64, %reduce_min3A [0] : vector<2048x2048xf32> to vector<2048xf32>
    %broadcast_in_dim3A_66 = vector.shape_cast %reduce_min3A_65 : vector<2048xf32> to vector<1x2048xf32>
    %add3A_67 = vector.broadcast %convert_element_type3A_56 : f32 to vector<1x2048xf32>
    %add3A_68 = arith.addf %broadcast_in_dim3A_66, %add3A_67 : vector<1x2048xf32>
    %jit3A_69 = arith.constant -1.000000e+09 : f32
    %broadcast_in_dim3A_70 = vector.broadcast %jit3A_69 : f32 to vector<2048x2048xf32>
    %select_n3A_71 = arith.select %eq3A_59, %broadcast_in_dim3A_70, %dot_general3A_52 : vector<2048x2048xi1>, vector<2048x2048xf32>
    %reduce_max3A_72 = arith.constant dense<0xFF800000> : vector<2048xf32>
    %reduce_max3A_73 = vector.multi_reduction <maximumf>, %select_n3A_71, %reduce_max3A_72 [0] : vector<2048x2048xf32> to vector<2048xf32>
    %broadcast_in_dim3A_74 = vector.shape_cast %reduce_max3A_73 : vector<2048xf32> to vector<1x2048xf32>
    %eq3A_75 = vector.broadcast %broadcast_in_dim3A_74 : vector<1x2048xf32> to vector<2048x2048xf32>
    %eq3A_76 = arith.cmpf oeq, %select_n3A_71, %eq3A_75 : vector<2048x2048xf32>
    %jit3A_77 = arith.constant 1.000000e+09 : f32
    %broadcast_in_dim3A_78 = vector.shape_cast %convert_element_type3A_53 : vector<2048x1xf32> to vector<2048x1xf32>
    %broadcast_in_dim3A_79 = vector.broadcast %broadcast_in_dim3A_78 : vector<2048x1xf32> to vector<2048x2048xf32>
    %broadcast_in_dim3A_80 = vector.broadcast %jit3A_77 : f32 to vector<2048x2048xf32>
    %select_n3A_81 = arith.select %eq3A_76, %broadcast_in_dim3A_79, %broadcast_in_dim3A_80 : vector<2048x2048xi1>, vector<2048x2048xf32>
    %reduce_min3A_82 = arith.constant dense<0x7F800000> : vector<2048xf32>
    %reduce_min3A_83 = vector.multi_reduction <minimumf>, %select_n3A_81, %reduce_min3A_82 [0] : vector<2048x2048xf32> to vector<2048xf32>
    %broadcast_in_dim3A_84 = vector.shape_cast %reduce_min3A_83 : vector<2048xf32> to vector<1x2048xf32>
    %add3A_85 = vector.broadcast %convert_element_type3A_56 : f32 to vector<1x2048xf32>
    %add3A_86 = arith.addf %broadcast_in_dim3A_84, %add3A_85 : vector<1x2048xf32>
    %jit3A_87 = arith.constant -1.000000e+09 : f32
    %broadcast_in_dim3A_88 = vector.broadcast %jit3A_87 : f32 to vector<2048x2048xf32>
    %select_n3A_89 = arith.select %eq3A_76, %broadcast_in_dim3A_88, %select_n3A_71 : vector<2048x2048xi1>, vector<2048x2048xf32>
    %reduce_max3A_90 = arith.constant dense<0xFF800000> : vector<2048xf32>
    %reduce_max3A_91 = vector.multi_reduction <maximumf>, %select_n3A_89, %reduce_max3A_90 [0] : vector<2048x2048xf32> to vector<2048xf32>
    %broadcast_in_dim3A_92 = vector.shape_cast %reduce_max3A_91 : vector<2048xf32> to vector<1x2048xf32>
    %eq3A_93 = vector.broadcast %broadcast_in_dim3A_92 : vector<1x2048xf32> to vector<2048x2048xf32>
    %eq3A_94 = arith.cmpf oeq, %select_n3A_89, %eq3A_93 : vector<2048x2048xf32>
    %jit3A_95 = arith.constant 1.000000e+09 : f32
    %broadcast_in_dim3A_96 = vector.shape_cast %convert_element_type3A_53 : vector<2048x1xf32> to vector<2048x1xf32>
    %broadcast_in_dim3A_97 = vector.broadcast %broadcast_in_dim3A_96 : vector<2048x1xf32> to vector<2048x2048xf32>
    %broadcast_in_dim3A_98 = vector.broadcast %jit3A_95 : f32 to vector<2048x2048xf32>
    %select_n3A_99 = arith.select %eq3A_94, %broadcast_in_dim3A_97, %broadcast_in_dim3A_98 : vector<2048x2048xi1>, vector<2048x2048xf32>
    %reduce_min3A_100 = arith.constant dense<0x7F800000> : vector<2048xf32>
    %reduce_min3A_101 = vector.multi_reduction <minimumf>, %select_n3A_99, %reduce_min3A_100 [0] : vector<2048x2048xf32> to vector<2048xf32>
    %broadcast_in_dim3A_102 = vector.shape_cast %reduce_min3A_101 : vector<2048xf32> to vector<1x2048xf32>
    %add3A_103 = vector.broadcast %convert_element_type3A_56 : f32 to vector<1x2048xf32>
    %add3A_104 = arith.addf %broadcast_in_dim3A_102, %add3A_103 : vector<1x2048xf32>
    %get3A_105 = arith.constant 0 : index
    %get3A_106 = arith.constant 0 : index
    %get3A_107 = vector.load %arg4[%get3A_105, %get3A_106] : memref<8x2048xf32, #tpu.memory_space<vmem>>, vector<1x2048xf32>
    %get3A_108 = arith.constant 1 : index
    %get3A_109 = arith.constant 0 : index
    %get3A_110 = vector.load %arg4[%get3A_108, %get3A_109] : memref<8x2048xf32, #tpu.memory_space<vmem>>, vector<1x2048xf32>
    %get3A_111 = arith.constant 2 : index
    %get3A_112 = arith.constant 0 : index
    %get3A_113 = vector.load %arg4[%get3A_111, %get3A_112] : memref<8x2048xf32, #tpu.memory_space<vmem>>, vector<1x2048xf32>
    %get3A_114 = arith.constant 0 : index
    %get3A_115 = arith.constant 0 : index
    %get3A_116 = vector.load %arg5[%get3A_114, %get3A_115] : memref<8x2048xf32, #tpu.memory_space<vmem>>, vector<1x2048xf32>
    %get3A_117 = arith.constant 1 : index
    %get3A_118 = arith.constant 0 : index
    %get3A_119 = vector.load %arg5[%get3A_117, %get3A_118] : memref<8x2048xf32, #tpu.memory_space<vmem>>, vector<1x2048xf32>
    %get3A_120 = arith.constant 2 : index
    %get3A_121 = arith.constant 0 : index
    %get3A_122 = vector.load %arg5[%get3A_120, %get3A_121] : memref<8x2048xf32, #tpu.memory_space<vmem>>, vector<1x2048xf32>
    %gt3A = arith.cmpf ogt, %broadcast_in_dim3A, %get3A_107 : vector<1x2048xf32>
    %select_n3A_123 = arith.select %gt3A, %broadcast_in_dim3A, %get3A_107 : vector<1x2048xi1>, vector<1x2048xf32>
    %select_n3A_124 = arith.select %gt3A, %add3A_68, %get3A_116 : vector<1x2048xi1>, vector<1x2048xf32>
    %select_n3A_125 = arith.select %gt3A, %get3A_107, %get3A_110 : vector<1x2048xi1>, vector<1x2048xf32>
    %select_n3A_126 = arith.select %gt3A, %get3A_116, %get3A_119 : vector<1x2048xi1>, vector<1x2048xf32>
    %select_n3A_127 = arith.select %gt3A, %broadcast_in_dim3A_74, %broadcast_in_dim3A : vector<1x2048xi1>, vector<1x2048xf32>
    %select_n3A_128 = arith.select %gt3A, %add3A_86, %add3A_68 : vector<1x2048xi1>, vector<1x2048xf32>
    %gt3A_129 = arith.cmpf ogt, %select_n3A_127, %select_n3A_125 : vector<1x2048xf32>
    %select_n3A_130 = arith.select %gt3A_129, %select_n3A_127, %select_n3A_125 : vector<1x2048xi1>, vector<1x2048xf32>
    %select_n3A_131 = arith.select %gt3A_129, %select_n3A_128, %select_n3A_126 : vector<1x2048xi1>, vector<1x2048xf32>
    %select_n3A_132 = arith.select %gt3A, %get3A_110, %get3A_113 : vector<1x2048xi1>, vector<1x2048xf32>
    %select_n3A_133 = arith.select %gt3A_129, %select_n3A_125, %select_n3A_132 : vector<1x2048xi1>, vector<1x2048xf32>
    %select_n3A_134 = arith.select %gt3A, %get3A_119, %get3A_122 : vector<1x2048xi1>, vector<1x2048xf32>
    %select_n3A_135 = arith.select %gt3A_129, %select_n3A_126, %select_n3A_134 : vector<1x2048xi1>, vector<1x2048xf32>
    %select_n3A_136 = arith.select %gt3A, %broadcast_in_dim3A_92, %broadcast_in_dim3A_74 : vector<1x2048xi1>, vector<1x2048xf32>
    %select_n3A_137 = arith.select %gt3A_129, %select_n3A_136, %select_n3A_127 : vector<1x2048xi1>, vector<1x2048xf32>
    %select_n3A_138 = arith.select %gt3A, %add3A_104, %add3A_86 : vector<1x2048xi1>, vector<1x2048xf32>
    %select_n3A_139 = arith.select %gt3A_129, %select_n3A_138, %select_n3A_128 : vector<1x2048xi1>, vector<1x2048xf32>
    %gt3A_140 = arith.cmpf ogt, %select_n3A_137, %select_n3A_133 : vector<1x2048xf32>
    %select_n3A_141 = arith.select %gt3A_140, %select_n3A_137, %select_n3A_133 : vector<1x2048xi1>, vector<1x2048xf32>
    %select_n3A_142 = arith.select %gt3A_140, %select_n3A_139, %select_n3A_135 : vector<1x2048xi1>, vector<1x2048xf32>
    %swap3A = arith.constant 0 : index
    %swap3A_143 = arith.constant 0 : index
    %swap3A_144 = vector.load %arg4[%swap3A, %swap3A_143] : memref<8x2048xf32, #tpu.memory_space<vmem>>, vector<1x2048xf32>
    tpu.vector_store %arg4[%swap3A, %swap3A_143], %select_n3A_123 {strides = array<i32>} : memref<8x2048xf32, #tpu.memory_space<vmem>>, vector<1x2048xf32>,
    %swap3A_145 = arith.constant 1 : index
    %swap3A_146 = arith.constant 0 : index
    %swap3A_147 = vector.load %arg4[%swap3A_145, %swap3A_146] : memref<8x2048xf32, #tpu.memory_space<vmem>>, vector<1x2048xf32>
    tpu.vector_store %arg4[%swap3A_145, %swap3A_146], %select_n3A_130 {strides = array<i32>} : memref<8x2048xf32, #tpu.memory_space<vmem>>, vector<1x2048xf32>,
    %swap3A_148 = arith.constant 2 : index
    %swap3A_149 = arith.constant 0 : index
    %swap3A_150 = vector.load %arg4[%swap3A_148, %swap3A_149] : memref<8x2048xf32, #tpu.memory_space<vmem>>, vector<1x2048xf32>
    tpu.vector_store %arg4[%swap3A_148, %swap3A_149], %select_n3A_141 {strides = array<i32>} : memref<8x2048xf32, #tpu.memory_space<vmem>>, vector<1x2048xf32>,
    %swap3A_151 = arith.constant 0 : index
    %swap3A_152 = arith.constant 0 : index
    %swap3A_153 = vector.load %arg5[%swap3A_151, %swap3A_152] : memref<8x2048xf32, #tpu.memory_space<vmem>>, vector<1x2048xf32>
    tpu.vector_store %arg5[%swap3A_151, %swap3A_152], %select_n3A_124 {strides = array<i32>} : memref<8x2048xf32, #tpu.memory_space<vmem>>, vector<1x2048xf32>,
    %swap3A_154 = arith.constant 1 : index
    %swap3A_155 = arith.constant 0 : index
    %swap3A_156 = vector.load %arg5[%swap3A_154, %swap3A_155] : memref<8x2048xf32, #tpu.memory_space<vmem>>, vector<1x2048xf32>
    tpu.vector_store %arg5[%swap3A_154, %swap3A_155], %select_n3A_131 {strides = array<i32>} : memref<8x2048xf32, #tpu.memory_space<vmem>>, vector<1x2048xf32>,
    %swap3A_157 = arith.constant 2 : index
    %swap3A_158 = arith.constant 0 : index
    %swap3A_159 = vector.load %arg5[%swap3A_157, %swap3A_158] : memref<8x2048xf32, #tpu.memory_space<vmem>>, vector<1x2048xf32>
    tpu.vector_store %arg5[%swap3A_157, %swap3A_158], %select_n3A_142 {strides = array<i32>} : memref<8x2048xf32, #tpu.memory_space<vmem>>, vector<1x2048xf32>,
    %eq3A_160 = arith.constant 31 : i32
    %eq3A_161 = arith.cmpi eq, %arg0, %eq3A_160 : i32
    %convert_element_type3A_162 = arith.extui %eq3A_161 : i1 to i32
    %cond3A_163 = arith.constant 0 : i32
    %cond3A_164 = arith.cmpi ne, %convert_element_type3A_162, %cond3A_163 : i32
    scf.if %cond3A_164 {
      %broadcast_in_dim3A_165 = arith.constant 0.000000e+00 : f32
      %broadcast_in_dim3A_166 = vector.broadcast %broadcast_in_dim3A_165 : f32 to vector<5x2048xf32>
      %concatenate3A = tpu.concatenate %select_n3A_124, %select_n3A_131, %select_n3A_142, %broadcast_in_dim3A_166 in 0 : vector<1x2048xf32>, vector<1x2048xf32>, vector<1x2048xf32>, vector<5x2048xf32> -> vector<8x2048xf32>
      %convert_element_type3A_167 = arith.fptosi %concatenate3A : vector<8x2048xf32> to vector<8x2048xi32>
      %swap3A_168 = arith.constant 0 : index
      %swap3A_169 = arith.constant 0 : index
      %swap3A_170 = vector.load %arg3[%swap3A_168, %swap3A_169] : memref<8x2048xi32, #tpu.memory_space<vmem>>, vector<8x2048xi32>
      tpu.vector_store %arg3[%swap3A_168, %swap3A_169], %convert_element_type3A_167 {strides = array<i32>} : memref<8x2048xi32, #tpu.memory_space<vmem>>, vector<8x2048xi32>,
    } else {
    }
    return
  }
  func.func @transform_0(%arg0: i32) -> (i32, i32) {
    %c0_i32 = arith.constant 0 : i32
    %c0_i32_0 = arith.constant 0 : i32
    %c0_i32_1 = arith.constant 0 : i32
    return %c0_i32, %c0_i32_0 : i32, i32
  }
  func.func @transform_2(%arg0: i32) -> (i32, i32) {
    %c0_i32 = arith.constant 0 : i32
    %c0_i32_0 = arith.constant 0 : i32
    %c0_i32_1 = arith.constant 0 : i32
    return %c0_i32, %c0_i32_0 : i32, i32
  }
}

module attributes {stable_mosaic.version = 14 : i64} {
  func.func @_attn_body(%arg0: i32, %arg1: i32, %arg2: memref<512x128xf32, #tpu.memory_space<vmem>>, %arg3: memref<2048x128xf32, #tpu.memory_space<vmem>>, %arg4: memref<2048x128xf32, #tpu.memory_space<vmem>>, %arg5: memref<512x128xf32, #tpu.memory_space<vmem>>) attributes {dimension_semantics = [#tpu.dimension_semantics<arbitrary>, #tpu.dimension_semantics<arbitrary>], iteration_bounds = array<i64: 6, 4>, scalar_prefetch = 0 : i64, scratch_operands = 0 : i64, tpu.core_type = #tpu.core_type<tc>, window_params = [{transform_indices = @transform_0, window_bounds = array<i64: 512, 128>}, {transform_indices = @transform_1, window_bounds = array<i64: 2048, 128>}, {transform_indices = @transform_2, window_bounds = array<i64: 2048, 128>}, {transform_indices = @transform_3, window_bounds = array<i64: 512, 128>}]} {
    %get3A = arith.constant 0 : index
    %get3A_0 = arith.constant 0 : index
    %get3A_1 = vector.load %arg2[%get3A, %get3A_0] : memref<512x128xf32, #tpu.memory_space<vmem>>, vector<512x128xf32>
    %get3A_2 = arith.constant 0 : index
    %get3A_3 = arith.constant 0 : index
    %get3A_4 = vector.load %arg3[%get3A_2, %get3A_3] : memref<2048x128xf32, #tpu.memory_space<vmem>>, vector<2048x128xf32>
    %get3A_5 = arith.constant 0 : index
    %get3A_6 = arith.constant 0 : index
    %get3A_7 = vector.load %arg4[%get3A_5, %get3A_6] : memref<2048x128xf32, #tpu.memory_space<vmem>>, vector<2048x128xf32>
    %iota3A = tpu.iota {dimensions = array<i32: 0>} : vector<512x2048xi32>
    %mul3A = arith.constant 512 : i32
    %mul3A_8 = arith.muli %arg1, %mul3A : i32
    %add3A = vector.broadcast %mul3A_8 : i32 to vector<512x2048xi32>
    %add3A_9 = arith.addi %iota3A, %add3A : vector<512x2048xi32>
    %iota3A_10 = tpu.iota {dimensions = array<i32: 1>} : vector<512x2048xi32>
    %le3A = arith.cmpi sle, %iota3A_10, %add3A_9 : vector<512x2048xi32>
    %slice3A = vector.extract_strided_slice %get3A_1 {offsets = [0, 0], sizes = [512, 64], strides = [1, 1]} : vector<512x128xf32> to vector<512x64xf32>
    %slice3A_11 = vector.extract_strided_slice %get3A_4 {offsets = [0, 0], sizes = [2048, 64], strides = [1, 1]} : vector<2048x128xf32> to vector<2048x64xf32>
    %dot_general3A = arith.constant dense<0.000000e+00> : vector<512x2048xf32>
    %dot_general3A_12 = tpu.matmul %slice3A, %slice3A_11, %dot_general3A {dimension_numbers = #tpu.dot_dimension_numbers<[1], [1], [0], [0], [0, 0, 1, 0], [], []>, transpose_lhs_hint = false} : vector<512x64xf32>, vector<2048x64xf32>, vector<512x2048xf32> -> vector<512x2048xf32>
    %mul3A_13 = arith.constant 1.250000e-01 : f32
    %mul3A_14 = vector.broadcast %mul3A_13 : f32 to vector<512x2048xf32>
    %mul3A_15 = arith.mulf %dot_general3A_12, %mul3A_14 : vector<512x2048xf32>
    %jit3A = arith.constant -1.000000e+09 : f32
    %broadcast_in_dim3A = vector.broadcast %jit3A : f32 to vector<512x2048xf32>
    %select_n3A = arith.select %le3A, %mul3A_15, %broadcast_in_dim3A : vector<512x2048xi1>, vector<512x2048xf32>
    %reduce_max3A = arith.constant dense<0xFF800000> : vector<512xf32>
    %reduce_max3A_16 = vector.multi_reduction <maximumf>, %select_n3A, %reduce_max3A [1] : vector<512x2048xf32> to vector<512xf32>
    %max3A = arith.constant 0xFF800000 : f32
    %max3A_17 = vector.broadcast %max3A : f32 to vector<512xf32>
    %max3A_18 = arith.maximumf %max3A_17, %reduce_max3A_16 : vector<512xf32>
    %broadcast_in_dim3A_19 = vector.shape_cast %max3A_18 : vector<512xf32> to vector<512x1xf32>
    %sub3A = vector.broadcast %broadcast_in_dim3A_19 : vector<512x1xf32> to vector<512x2048xf32>
    %sub3A_20 = arith.subf %select_n3A, %sub3A : vector<512x2048xf32>
    %exp3A = math.exp %sub3A_20 : vector<512x2048xf32>
    %reduce_sum3A = arith.constant dense<0.000000e+00> : vector<512xf32>
    %reduce_sum3A_21 = vector.multi_reduction <add>, %exp3A, %reduce_sum3A [1] : vector<512x2048xf32> to vector<512xf32>
    %broadcast_in_dim3A_22 = vector.shape_cast %reduce_sum3A_21 : vector<512xf32> to vector<512x1xf32>
    %div3A = vector.broadcast %broadcast_in_dim3A_22 : vector<512x1xf32> to vector<512x2048xf32>
    %div3A_23 = arith.divf %exp3A, %div3A : vector<512x2048xf32>
    %slice3A_24 = vector.extract_strided_slice %get3A_7 {offsets = [0, 0], sizes = [2048, 64], strides = [1, 1]} : vector<2048x128xf32> to vector<2048x64xf32>
    %dot_general3A_25 = arith.constant dense<0.000000e+00> : vector<512x64xf32>
    %dot_general3A_26 = tpu.matmul %div3A_23, %slice3A_24, %dot_general3A_25 {dimension_numbers = #tpu.dot_dimension_numbers<[1], [0], [0], [1], [0, 0, 1, 1], [], []>, transpose_lhs_hint = false} : vector<512x2048xf32>, vector<2048x64xf32>, vector<512x64xf32> -> vector<512x64xf32>
    %slice3A_27 = vector.extract_strided_slice %get3A_1 {offsets = [0, 64], sizes = [512, 64], strides = [1, 1]} : vector<512x128xf32> to vector<512x64xf32>
    %slice3A_28 = vector.extract_strided_slice %get3A_4 {offsets = [0, 64], sizes = [2048, 64], strides = [1, 1]} : vector<2048x128xf32> to vector<2048x64xf32>
    %dot_general3A_29 = arith.constant dense<0.000000e+00> : vector<512x2048xf32>
    %dot_general3A_30 = tpu.matmul %slice3A_27, %slice3A_28, %dot_general3A_29 {dimension_numbers = #tpu.dot_dimension_numbers<[1], [1], [0], [0], [0, 0, 1, 0], [], []>, transpose_lhs_hint = false} : vector<512x64xf32>, vector<2048x64xf32>, vector<512x2048xf32> -> vector<512x2048xf32>
    %mul3A_31 = arith.constant 1.250000e-01 : f32
    %mul3A_32 = vector.broadcast %mul3A_31 : f32 to vector<512x2048xf32>
    %mul3A_33 = arith.mulf %dot_general3A_30, %mul3A_32 : vector<512x2048xf32>
    %jit3A_34 = arith.constant -1.000000e+09 : f32
    %broadcast_in_dim3A_35 = vector.broadcast %jit3A_34 : f32 to vector<512x2048xf32>
    %select_n3A_36 = arith.select %le3A, %mul3A_33, %broadcast_in_dim3A_35 : vector<512x2048xi1>, vector<512x2048xf32>
    %reduce_max3A_37 = arith.constant dense<0xFF800000> : vector<512xf32>
    %reduce_max3A_38 = vector.multi_reduction <maximumf>, %select_n3A_36, %reduce_max3A_37 [1] : vector<512x2048xf32> to vector<512xf32>
    %max3A_39 = arith.constant 0xFF800000 : f32
    %max3A_40 = vector.broadcast %max3A_39 : f32 to vector<512xf32>
    %max3A_41 = arith.maximumf %max3A_40, %reduce_max3A_38 : vector<512xf32>
    %broadcast_in_dim3A_42 = vector.shape_cast %max3A_41 : vector<512xf32> to vector<512x1xf32>
    %sub3A_43 = vector.broadcast %broadcast_in_dim3A_42 : vector<512x1xf32> to vector<512x2048xf32>
    %sub3A_44 = arith.subf %select_n3A_36, %sub3A_43 : vector<512x2048xf32>
    %exp3A_45 = math.exp %sub3A_44 : vector<512x2048xf32>
    %reduce_sum3A_46 = arith.constant dense<0.000000e+00> : vector<512xf32>
    %reduce_sum3A_47 = vector.multi_reduction <add>, %exp3A_45, %reduce_sum3A_46 [1] : vector<512x2048xf32> to vector<512xf32>
    %broadcast_in_dim3A_48 = vector.shape_cast %reduce_sum3A_47 : vector<512xf32> to vector<512x1xf32>
    %div3A_49 = vector.broadcast %broadcast_in_dim3A_48 : vector<512x1xf32> to vector<512x2048xf32>
    %div3A_50 = arith.divf %exp3A_45, %div3A_49 : vector<512x2048xf32>
    %slice3A_51 = vector.extract_strided_slice %get3A_7 {offsets = [0, 64], sizes = [2048, 64], strides = [1, 1]} : vector<2048x128xf32> to vector<2048x64xf32>
    %dot_general3A_52 = arith.constant dense<0.000000e+00> : vector<512x64xf32>
    %dot_general3A_53 = tpu.matmul %div3A_50, %slice3A_51, %dot_general3A_52 {dimension_numbers = #tpu.dot_dimension_numbers<[1], [0], [0], [1], [0, 0, 1, 1], [], []>, transpose_lhs_hint = false} : vector<512x2048xf32>, vector<2048x64xf32>, vector<512x64xf32> -> vector<512x64xf32>
    %concatenate3A = tpu.concatenate %dot_general3A_26, %dot_general3A_53 in 1 : vector<512x64xf32>, vector<512x64xf32> -> vector<512x128xf32>
    %swap3A = arith.constant 0 : index
    %swap3A_54 = arith.constant 0 : index
    %swap3A_55 = vector.load %arg5[%swap3A, %swap3A_54] : memref<512x128xf32, #tpu.memory_space<vmem>>, vector<512x128xf32>
    tpu.vector_store %arg5[%swap3A, %swap3A_54], %concatenate3A {strides = array<i32>} : memref<512x128xf32, #tpu.memory_space<vmem>>, vector<512x128xf32>,
    return
  }
  func.func @transform_0(%arg0: i32, %arg1: i32) -> (i32, i32) {
    %c0_i32 = arith.constant 0 : i32
    return %arg1, %arg0 : i32, i32
  }
  func.func @transform_1(%arg0: i32, %arg1: i32) -> (i32, i32) {
    %add3A = arith.constant 6 : i32
    %add3A_0 = arith.addi %add3A, %arg0 : i32
    %c0_i32 = arith.constant 0 : i32
    %c0_i32_1 = arith.constant 0 : i32
    return %c0_i32, %add3A_0 : i32, i32
  }
  func.func @transform_2(%arg0: i32, %arg1: i32) -> (i32, i32) {
    %add3A = arith.constant 12 : i32
    %add3A_0 = arith.addi %add3A, %arg0 : i32
    %c0_i32 = arith.constant 0 : i32
    %c0_i32_1 = arith.constant 0 : i32
    return %c0_i32, %add3A_0 : i32, i32
  }
  func.func @transform_3(%arg0: i32, %arg1: i32) -> (i32, i32) {
    %c0_i32 = arith.constant 0 : i32
    return %arg1, %arg0 : i32, i32
  }
}

module attributes {stable_mosaic.version = 14 : i64} {
  func.func @_final_body(%arg0: i32, %arg1: memref<2048x128xf32, #tpu.memory_space<vmem>>, %arg2: memref<2048x128xf32, #tpu.memory_space<vmem>>, %arg3: memref<2048x128xf32, #tpu.memory_space<vmem>>, %arg4: memref<2048x128xf32, #tpu.memory_space<vmem>>, %arg5: memref<2048x128xf32, #tpu.memory_space<vmem>>, %arg6: memref<2048x128xf32, #tpu.memory_space<vmem>>, %arg7: memref<2048x128xf32, #tpu.memory_space<vmem>>, %arg8: memref<2048x128xf32, #tpu.memory_space<vmem>>, %arg9: memref<1x128xf32, #tpu.memory_space<vmem>>, %arg10: memref<128x768xf32, #tpu.memory_space<vmem>>, %arg11: memref<2048x768xf32, #tpu.memory_space<vmem>>) attributes {dimension_semantics = [#tpu.dimension_semantics<arbitrary>], iteration_bounds = array<i64: 6>, scalar_prefetch = 0 : i64, scratch_operands = 0 : i64, tpu.core_type = #tpu.core_type<tc>, window_params = [{transform_indices = @transform_0, window_bounds = array<i64: 2048, 128>}, {transform_indices = @transform_1, window_bounds = array<i64: 2048, 128>}, {transform_indices = @transform_2, window_bounds = array<i64: 2048, 128>}, {transform_indices = @transform_3, window_bounds = array<i64: 2048, 128>}, {transform_indices = @transform_4, window_bounds = array<i64: 2048, 128>}, {transform_indices = @transform_5, window_bounds = array<i64: 2048, 128>}, {transform_indices = @transform_6, window_bounds = array<i64: 2048, 128>}, {transform_indices = @transform_7, window_bounds = array<i64: 2048, 128>}, {transform_indices = @transform_8, window_bounds = array<i64: 1, 128>}, {transform_indices = @transform_9, window_bounds = array<i64: 128, 768>}, {pipeline_mode = #tpu.pipeline_mode<synchronous>, transform_indices = @transform_10, window_bounds = array<i64: 2048, 768>}]} {
    %get3A = arith.constant 0 : index
    %get3A_0 = arith.constant 0 : index
    %get3A_1 = vector.load %arg1[%get3A, %get3A_0] : memref<2048x128xf32, #tpu.memory_space<vmem>>, vector<2048x128xf32>
    %get3A_2 = arith.constant 0 : index
    %get3A_3 = arith.constant 0 : index
    %get3A_4 = vector.load %arg3[%get3A_2, %get3A_3] : memref<2048x128xf32, #tpu.memory_space<vmem>>, vector<2048x128xf32>
    %mul3A = arith.mulf %get3A_1, %get3A_4 : vector<2048x128xf32>
    %slice3A = vector.extract_strided_slice %mul3A {offsets = [0, 0], sizes = [2048, 64], strides = [1, 1]} : vector<2048x128xf32> to vector<2048x64xf32>
    %reduce_sum3A = arith.constant dense<0.000000e+00> : vector<2048xf32>
    %reduce_sum3A_5 = vector.multi_reduction <add>, %slice3A, %reduce_sum3A [1] : vector<2048x64xf32> to vector<2048xf32>
    %broadcast_in_dim3A = vector.shape_cast %reduce_sum3A_5 : vector<2048xf32> to vector<2048x1xf32>
    %mul3A_6 = arith.constant 2.660430e+03 : f32
    %mul3A_7 = vector.broadcast %mul3A_6 : f32 to vector<2048x1xf32>
    %mul3A_8 = arith.mulf %broadcast_in_dim3A, %mul3A_7 : vector<2048x1xf32>
    %slice3A_9 = vector.extract_strided_slice %mul3A {offsets = [0, 64], sizes = [2048, 64], strides = [1, 1]} : vector<2048x128xf32> to vector<2048x64xf32>
    %reduce_sum3A_10 = arith.constant dense<0.000000e+00> : vector<2048xf32>
    %reduce_sum3A_11 = vector.multi_reduction <add>, %slice3A_9, %reduce_sum3A_10 [1] : vector<2048x64xf32> to vector<2048xf32>
    %broadcast_in_dim3A_12 = vector.shape_cast %reduce_sum3A_11 : vector<2048xf32> to vector<2048x1xf32>
    %mul3A_13 = arith.constant 2.660430e+03 : f32
    %mul3A_14 = vector.broadcast %mul3A_13 : f32 to vector<2048x1xf32>
    %mul3A_15 = arith.mulf %broadcast_in_dim3A_12, %mul3A_14 : vector<2048x1xf32>
    %get3A_16 = arith.constant 0 : index
    %get3A_17 = arith.constant 0 : index
    %get3A_18 = vector.load %arg4[%get3A_16, %get3A_17] : memref<2048x128xf32, #tpu.memory_space<vmem>>, vector<2048x128xf32>
    %mul3A_19 = arith.mulf %get3A_1, %get3A_18 : vector<2048x128xf32>
    %slice3A_20 = vector.extract_strided_slice %mul3A_19 {offsets = [0, 0], sizes = [2048, 64], strides = [1, 1]} : vector<2048x128xf32> to vector<2048x64xf32>
    %reduce_sum3A_21 = arith.constant dense<0.000000e+00> : vector<2048xf32>
    %reduce_sum3A_22 = vector.multi_reduction <add>, %slice3A_20, %reduce_sum3A_21 [1] : vector<2048x64xf32> to vector<2048xf32>
    %broadcast_in_dim3A_23 = vector.shape_cast %reduce_sum3A_22 : vector<2048xf32> to vector<2048x1xf32>
    %mul3A_24 = arith.constant 2.660430e+03 : f32
    %mul3A_25 = vector.broadcast %mul3A_24 : f32 to vector<2048x1xf32>
    %mul3A_26 = arith.mulf %broadcast_in_dim3A_23, %mul3A_25 : vector<2048x1xf32>
    %slice3A_27 = vector.extract_strided_slice %mul3A_19 {offsets = [0, 64], sizes = [2048, 64], strides = [1, 1]} : vector<2048x128xf32> to vector<2048x64xf32>
    %reduce_sum3A_28 = arith.constant dense<0.000000e+00> : vector<2048xf32>
    %reduce_sum3A_29 = vector.multi_reduction <add>, %slice3A_27, %reduce_sum3A_28 [1] : vector<2048x64xf32> to vector<2048xf32>
    %broadcast_in_dim3A_30 = vector.shape_cast %reduce_sum3A_29 : vector<2048xf32> to vector<2048x1xf32>
    %mul3A_31 = arith.constant 2.660430e+03 : f32
    %mul3A_32 = vector.broadcast %mul3A_31 : f32 to vector<2048x1xf32>
    %mul3A_33 = arith.mulf %broadcast_in_dim3A_30, %mul3A_32 : vector<2048x1xf32>
    %get3A_34 = arith.constant 0 : index
    %get3A_35 = arith.constant 0 : index
    %get3A_36 = vector.load %arg5[%get3A_34, %get3A_35] : memref<2048x128xf32, #tpu.memory_space<vmem>>, vector<2048x128xf32>
    %mul3A_37 = arith.mulf %get3A_1, %get3A_36 : vector<2048x128xf32>
    %slice3A_38 = vector.extract_strided_slice %mul3A_37 {offsets = [0, 0], sizes = [2048, 64], strides = [1, 1]} : vector<2048x128xf32> to vector<2048x64xf32>
    %reduce_sum3A_39 = arith.constant dense<0.000000e+00> : vector<2048xf32>
    %reduce_sum3A_40 = vector.multi_reduction <add>, %slice3A_38, %reduce_sum3A_39 [1] : vector<2048x64xf32> to vector<2048xf32>
    %broadcast_in_dim3A_41 = vector.shape_cast %reduce_sum3A_40 : vector<2048xf32> to vector<2048x1xf32>
    %mul3A_42 = arith.constant 2.660430e+03 : f32
    %mul3A_43 = vector.broadcast %mul3A_42 : f32 to vector<2048x1xf32>
    %mul3A_44 = arith.mulf %broadcast_in_dim3A_41, %mul3A_43 : vector<2048x1xf32>
    %slice3A_45 = vector.extract_strided_slice %mul3A_37 {offsets = [0, 64], sizes = [2048, 64], strides = [1, 1]} : vector<2048x128xf32> to vector<2048x64xf32>
    %reduce_sum3A_46 = arith.constant dense<0.000000e+00> : vector<2048xf32>
    %reduce_sum3A_47 = vector.multi_reduction <add>, %slice3A_45, %reduce_sum3A_46 [1] : vector<2048x64xf32> to vector<2048xf32>
    %broadcast_in_dim3A_48 = vector.shape_cast %reduce_sum3A_47 : vector<2048xf32> to vector<2048x1xf32>
    %mul3A_49 = arith.constant 2.660430e+03 : f32
    %mul3A_50 = vector.broadcast %mul3A_49 : f32 to vector<2048x1xf32>
    %mul3A_51 = arith.mulf %broadcast_in_dim3A_48, %mul3A_50 : vector<2048x1xf32>
    %concatenate3A = tpu.concatenate %mul3A_8, %mul3A_26, %mul3A_44 in 1 : vector<2048x1xf32>, vector<2048x1xf32>, vector<2048x1xf32> -> vector<2048x3xf32>
    %reduce_max3A = arith.constant dense<0xFF800000> : vector<2048xf32>
    %reduce_max3A_52 = vector.multi_reduction <maximumf>, %concatenate3A, %reduce_max3A [1] : vector<2048x3xf32> to vector<2048xf32>
    %max3A = arith.constant 0xFF800000 : f32
    %max3A_53 = vector.broadcast %max3A : f32 to vector<2048xf32>
    %max3A_54 = arith.maximumf %max3A_53, %reduce_max3A_52 : vector<2048xf32>
    %broadcast_in_dim3A_55 = vector.shape_cast %max3A_54 : vector<2048xf32> to vector<2048x1xf32>
    %sub3A = vector.broadcast %broadcast_in_dim3A_55 : vector<2048x1xf32> to vector<2048x3xf32>
    %sub3A_56 = arith.subf %concatenate3A, %sub3A : vector<2048x3xf32>
    %exp3A = math.exp %sub3A_56 : vector<2048x3xf32>
    %reduce_sum3A_57 = arith.constant dense<0.000000e+00> : vector<2048xf32>
    %reduce_sum3A_58 = vector.multi_reduction <add>, %exp3A, %reduce_sum3A_57 [1] : vector<2048x3xf32> to vector<2048xf32>
    %broadcast_in_dim3A_59 = vector.shape_cast %reduce_sum3A_58 : vector<2048xf32> to vector<2048x1xf32>
    %div3A = vector.broadcast %broadcast_in_dim3A_59 : vector<2048x1xf32> to vector<2048x3xf32>
    %div3A_60 = arith.divf %exp3A, %div3A : vector<2048x3xf32>
    %concatenate3A_61 = tpu.concatenate %mul3A_15, %mul3A_33, %mul3A_51 in 1 : vector<2048x1xf32>, vector<2048x1xf32>, vector<2048x1xf32> -> vector<2048x3xf32>
    %reduce_max3A_62 = arith.constant dense<0xFF800000> : vector<2048xf32>
    %reduce_max3A_63 = vector.multi_reduction <maximumf>, %concatenate3A_61, %reduce_max3A_62 [1] : vector<2048x3xf32> to vector<2048xf32>
    %max3A_64 = arith.constant 0xFF800000 : f32
    %max3A_65 = vector.broadcast %max3A_64 : f32 to vector<2048xf32>
    %max3A_66 = arith.maximumf %max3A_65, %reduce_max3A_63 : vector<2048xf32>
    %broadcast_in_dim3A_67 = vector.shape_cast %max3A_66 : vector<2048xf32> to vector<2048x1xf32>
    %sub3A_68 = vector.broadcast %broadcast_in_dim3A_67 : vector<2048x1xf32> to vector<2048x3xf32>
    %sub3A_69 = arith.subf %concatenate3A_61, %sub3A_68 : vector<2048x3xf32>
    %exp3A_70 = math.exp %sub3A_69 : vector<2048x3xf32>
    %reduce_sum3A_71 = arith.constant dense<0.000000e+00> : vector<2048xf32>
    %reduce_sum3A_72 = vector.multi_reduction <add>, %exp3A_70, %reduce_sum3A_71 [1] : vector<2048x3xf32> to vector<2048xf32>
    %broadcast_in_dim3A_73 = vector.shape_cast %reduce_sum3A_72 : vector<2048xf32> to vector<2048x1xf32>
    %div3A_74 = vector.broadcast %broadcast_in_dim3A_73 : vector<2048x1xf32> to vector<2048x3xf32>
    %div3A_75 = arith.divf %exp3A_70, %div3A_74 : vector<2048x3xf32>
    %broadcast_in_dim3A_76 = arith.constant 0.000000e+00 : f32
    %broadcast_in_dim3A_77 = vector.broadcast %broadcast_in_dim3A_76 : f32 to vector<2048x64xf32>
    %broadcast_in_dim3A_78 = arith.constant 0.000000e+00 : f32
    %broadcast_in_dim3A_79 = vector.broadcast %broadcast_in_dim3A_78 : f32 to vector<2048x64xf32>
    %get3A_80 = arith.constant 0 : index
    %get3A_81 = arith.constant 0 : index
    %get3A_82 = vector.load %arg6[%get3A_80, %get3A_81] : memref<2048x128xf32, #tpu.memory_space<vmem>>, vector<2048x128xf32>
    %slice3A_83 = vector.extract_strided_slice %div3A_60 {offsets = [0, 0], sizes = [2048, 1], strides = [1, 1]} : vector<2048x3xf32> to vector<2048x1xf32>
    %slice3A_84 = vector.extract_strided_slice %get3A_82 {offsets = [0, 0], sizes = [2048, 64], strides = [1, 1]} : vector<2048x128xf32> to vector<2048x64xf32>
    %mul3A_85 = vector.broadcast %slice3A_83 : vector<2048x1xf32> to vector<2048x64xf32>
    %mul3A_86 = arith.mulf %mul3A_85, %slice3A_84 : vector<2048x64xf32>
    %add3A = arith.addf %broadcast_in_dim3A_77, %mul3A_86 : vector<2048x64xf32>
    %slice3A_87 = vector.extract_strided_slice %div3A_75 {offsets = [0, 0], sizes = [2048, 1], strides = [1, 1]} : vector<2048x3xf32> to vector<2048x1xf32>
    %slice3A_88 = vector.extract_strided_slice %get3A_82 {offsets = [0, 64], sizes = [2048, 64], strides = [1, 1]} : vector<2048x128xf32> to vector<2048x64xf32>
    %mul3A_89 = vector.broadcast %slice3A_87 : vector<2048x1xf32> to vector<2048x64xf32>
    %mul3A_90 = arith.mulf %mul3A_89, %slice3A_88 : vector<2048x64xf32>
    %add3A_91 = arith.addf %broadcast_in_dim3A_79, %mul3A_90 : vector<2048x64xf32>
    %get3A_92 = arith.constant 0 : index
    %get3A_93 = arith.constant 0 : index
    %get3A_94 = vector.load %arg7[%get3A_92, %get3A_93] : memref<2048x128xf32, #tpu.memory_space<vmem>>, vector<2048x128xf32>
    %slice3A_95 = vector.extract_strided_slice %div3A_60 {offsets = [0, 1], sizes = [2048, 1], strides = [1, 1]} : vector<2048x3xf32> to vector<2048x1xf32>
    %slice3A_96 = vector.extract_strided_slice %get3A_94 {offsets = [0, 0], sizes = [2048, 64], strides = [1, 1]} : vector<2048x128xf32> to vector<2048x64xf32>
    %mul3A_97 = vector.broadcast %slice3A_95 : vector<2048x1xf32> to vector<2048x64xf32>
    %mul3A_98 = arith.mulf %mul3A_97, %slice3A_96 : vector<2048x64xf32>
    %add3A_99 = arith.addf %add3A, %mul3A_98 : vector<2048x64xf32>
    %slice3A_100 = vector.extract_strided_slice %div3A_75 {offsets = [0, 1], sizes = [2048, 1], strides = [1, 1]} : vector<2048x3xf32> to vector<2048x1xf32>
    %slice3A_101 = vector.extract_strided_slice %get3A_94 {offsets = [0, 64], sizes = [2048, 64], strides = [1, 1]} : vector<2048x128xf32> to vector<2048x64xf32>
    %mul3A_102 = vector.broadcast %slice3A_100 : vector<2048x1xf32> to vector<2048x64xf32>
    %mul3A_103 = arith.mulf %mul3A_102, %slice3A_101 : vector<2048x64xf32>
    %add3A_104 = arith.addf %add3A_91, %mul3A_103 : vector<2048x64xf32>
    %get3A_105 = arith.constant 0 : index
    %get3A_106 = arith.constant 0 : index
    %get3A_107 = vector.load %arg8[%get3A_105, %get3A_106] : memref<2048x128xf32, #tpu.memory_space<vmem>>, vector<2048x128xf32>
    %slice3A_108 = vector.extract_strided_slice %div3A_60 {offsets = [0, 2], sizes = [2048, 1], strides = [1, 1]} : vector<2048x3xf32> to vector<2048x1xf32>
    %slice3A_109 = vector.extract_strided_slice %get3A_107 {offsets = [0, 0], sizes = [2048, 64], strides = [1, 1]} : vector<2048x128xf32> to vector<2048x64xf32>
    %mul3A_110 = vector.broadcast %slice3A_108 : vector<2048x1xf32> to vector<2048x64xf32>
    %mul3A_111 = arith.mulf %mul3A_110, %slice3A_109 : vector<2048x64xf32>
    %add3A_112 = arith.addf %add3A_99, %mul3A_111 : vector<2048x64xf32>
    %slice3A_113 = vector.extract_strided_slice %div3A_75 {offsets = [0, 2], sizes = [2048, 1], strides = [1, 1]} : vector<2048x3xf32> to vector<2048x1xf32>
    %slice3A_114 = vector.extract_strided_slice %get3A_107 {offsets = [0, 64], sizes = [2048, 64], strides = [1, 1]} : vector<2048x128xf32> to vector<2048x64xf32>
    %mul3A_115 = vector.broadcast %slice3A_113 : vector<2048x1xf32> to vector<2048x64xf32>
    %mul3A_116 = arith.mulf %mul3A_115, %slice3A_114 : vector<2048x64xf32>
    %add3A_117 = arith.addf %add3A_104, %mul3A_116 : vector<2048x64xf32>
    %concatenate3A_118 = tpu.concatenate %add3A_112, %add3A_117 in 1 : vector<2048x64xf32>, vector<2048x64xf32> -> vector<2048x128xf32>
    %get3A_119 = arith.constant 0 : index
    %get3A_120 = arith.constant 0 : index
    %get3A_121 = vector.load %arg9[%get3A_119, %get3A_120] : memref<1x128xf32, #tpu.memory_space<vmem>>, vector<1x128xf32>
    %mul3A_122 = vector.broadcast %get3A_121 : vector<1x128xf32> to vector<2048x128xf32>
    %mul3A_123 = arith.mulf %concatenate3A_118, %mul3A_122 : vector<2048x128xf32>
    %get3A_124 = arith.constant 0 : index
    %get3A_125 = arith.constant 0 : index
    %get3A_126 = vector.load %arg2[%get3A_124, %get3A_125] : memref<2048x128xf32, #tpu.memory_space<vmem>>, vector<2048x128xf32>
    %sub3A_127 = arith.constant 1.000000e+00 : f32
    %sub3A_128 = vector.broadcast %sub3A_127 : f32 to vector<1x128xf32>
    %sub3A_129 = arith.subf %sub3A_128, %get3A_121 : vector<1x128xf32>
    %mul3A_130 = vector.broadcast %sub3A_129 : vector<1x128xf32> to vector<2048x128xf32>
    %mul3A_131 = arith.mulf %get3A_126, %mul3A_130 : vector<2048x128xf32>
    %add3A_132 = arith.addf %mul3A_123, %mul3A_131 : vector<2048x128xf32>
    %get3A_133 = arith.constant 0 : index
    %get3A_134 = arith.constant 0 : index
    %get3A_135 = vector.load %arg10[%get3A_133, %get3A_134] : memref<128x768xf32, #tpu.memory_space<vmem>>, vector<128x768xf32>
    %dot_general3A = arith.constant dense<0.000000e+00> : vector<2048x768xf32>
    %dot_general3A_136 = tpu.matmul %add3A_132, %get3A_135, %dot_general3A {dimension_numbers = #tpu.dot_dimension_numbers<[1], [0], [0], [1], [0, 0, 1, 1], [], []>, transpose_lhs_hint = false} : vector<2048x128xf32>, vector<128x768xf32>, vector<2048x768xf32> -> vector<2048x768xf32>
    %eq3A = arith.constant 0 : i32
    %eq3A_137 = arith.cmpi eq, %arg0, %eq3A : i32
    %convert_element_type3A = arith.extui %eq3A_137 : i1 to i32
    %cond3A = arith.constant 0 : i32
    %cond3A_138 = arith.cmpi ne, %convert_element_type3A, %cond3A : i32
    scf.if %cond3A_138 {
      %broadcast_in_dim3A_145 = arith.constant 0.000000e+00 : f32
      %broadcast_in_dim3A_146 = vector.broadcast %broadcast_in_dim3A_145 : f32 to vector<2048x768xf32>
      %swap3A_147 = arith.constant 0 : index
      %swap3A_148 = arith.constant 0 : index
      %swap3A_149 = vector.load %arg11[%swap3A_147, %swap3A_148] : memref<2048x768xf32, #tpu.memory_space<vmem>>, vector<2048x768xf32>
      tpu.vector_store %arg11[%swap3A_147, %swap3A_148], %broadcast_in_dim3A_146 {strides = array<i32>} : memref<2048x768xf32, #tpu.memory_space<vmem>>, vector<2048x768xf32>,
    } else {
    }
    %get3A_139 = arith.constant 0 : index
    %get3A_140 = arith.constant 0 : index
    %get3A_141 = vector.load %arg11[%get3A_139, %get3A_140] : memref<2048x768xf32, #tpu.memory_space<vmem>>, vector<2048x768xf32>
    %add3A_142 = arith.addf %get3A_141, %dot_general3A_136 : vector<2048x768xf32>
    %swap3A = arith.constant 0 : index
    %swap3A_143 = arith.constant 0 : index
    %swap3A_144 = vector.load %arg11[%swap3A, %swap3A_143] : memref<2048x768xf32, #tpu.memory_space<vmem>>, vector<2048x768xf32>
    tpu.vector_store %arg11[%swap3A, %swap3A_143], %add3A_142 {strides = array<i32>} : memref<2048x768xf32, #tpu.memory_space<vmem>>, vector<2048x768xf32>,
    return
  }
  func.func @transform_0(%arg0: i32) -> (i32, i32) {
    %c0_i32 = arith.constant 0 : i32
    %c0_i32_0 = arith.constant 0 : i32
    return %c0_i32, %arg0 : i32, i32
  }
  func.func @transform_1(%arg0: i32) -> (i32, i32) {
    %c0_i32 = arith.constant 0 : i32
    %c0_i32_0 = arith.constant 0 : i32
    return %c0_i32, %arg0 : i32, i32
  }
  func.func @transform_2(%arg0: i32) -> (i32, i32) {
    %add3A = arith.constant 0 : i32
    %add3A_0 = arith.addi %add3A, %arg0 : i32
    %c0_i32 = arith.constant 0 : i32
    %c0_i32_1 = arith.constant 0 : i32
    return %c0_i32, %add3A_0 : i32, i32
  }
  func.func @transform_3(%arg0: i32) -> (i32, i32) {
    %add3A = arith.constant 12 : i32
    %add3A_0 = arith.addi %add3A, %arg0 : i32
    %c0_i32 = arith.constant 0 : i32
    %c0_i32_1 = arith.constant 0 : i32
    return %c0_i32, %add3A_0 : i32, i32
  }
  func.func @transform_4(%arg0: i32) -> (i32, i32) {
    %add3A = arith.constant 24 : i32
    %add3A_0 = arith.addi %add3A, %arg0 : i32
    %c0_i32 = arith.constant 0 : i32
    %c0_i32_1 = arith.constant 0 : i32
    return %c0_i32, %add3A_0 : i32, i32
  }
  func.func @transform_5(%arg0: i32) -> (i32, i32) {
    %add3A = arith.constant 6 : i32
    %add3A_0 = arith.addi %add3A, %arg0 : i32
    %c0_i32 = arith.constant 0 : i32
    %c0_i32_1 = arith.constant 0 : i32
    return %c0_i32, %add3A_0 : i32, i32
  }
  func.func @transform_6(%arg0: i32) -> (i32, i32) {
    %add3A = arith.constant 18 : i32
    %add3A_0 = arith.addi %add3A, %arg0 : i32
    %c0_i32 = arith.constant 0 : i32
    %c0_i32_1 = arith.constant 0 : i32
    return %c0_i32, %add3A_0 : i32, i32
  }
  func.func @transform_7(%arg0: i32) -> (i32, i32) {
    %add3A = arith.constant 30 : i32
    %add3A_0 = arith.addi %add3A, %arg0 : i32
    %c0_i32 = arith.constant 0 : i32
    %c0_i32_1 = arith.constant 0 : i32
    return %c0_i32, %add3A_0 : i32, i32
  }
  func.func @transform_8(%arg0: i32) -> (i32, i32) {
    %c0_i32 = arith.constant 0 : i32
    %c0_i32_0 = arith.constant 0 : i32
    return %c0_i32, %arg0 : i32, i32
  }
  func.func @transform_9(%arg0: i32) -> (i32, i32) {
    %c0_i32 = arith.constant 0 : i32
    %c0_i32_0 = arith.constant 0 : i32
    return %arg0, %c0_i32 : i32, i32
  }
  func.func @transform_10(%arg0: i32) -> (i32, i32) {
    %c0_i32 = arith.constant 0 : i32
    %c0_i32_0 = arith.constant 0 : i32
    %c0_i32_1 = arith.constant 0 : i32
    return %c0_i32, %c0_i32_0 : i32, i32
  }
}

</mosaic_0001>

<sc_bundles>
// kernel: kernel.7.cloned.1.call-start
scs
__scs_entry_jumppad:
0x0: {  	(pc) =	sbr.rel $0x88, $3  }
0x1: {  	(tag) =	ssettag $0x0;
	lr =	simm.s32 $0x1  }
0x2: {  	[smem:$0x3F9C] =	sst lr;
	_ =	strace $0xD0000000  }
0x3: {  	_ = 	snop  }
0x4: {  	_ = 	snop  }
0x5: {  	_ = 	snop  }
0x6: {  	_ = 	snop  }
0x7: {  	_ = 	snop  }
__scs_overlays_trampoline_lowered:
0x8: {  	[smem:$0x3FAB] =	sst s0  }
0x9: {  	[smem:$0x3FAC] =	sst s1  }
0xa: {  	[smem:$0x3FAD] =	sst s2  }
0xb: {  	[smem:$0x3FAE] =	sst s3  }
0xc: {  	[smem:$0x3FAF] =	sst s4  }
0xd: {  	[smem:$0x3FB0] =	sst s5  }
0xe: {  	[smem:$0x3FB1] =	sst s6  }
0xf: {  	[smem:$0x3FB2] =	sst s7  }
0x10: {  	[smem:$0x3FB3] =	sst s8  }
0x11: {  	[smem:$0x3FB4] =	sst s9;
	s0 =	simm.s32 @!p0 $0x0  }
0x12: {  	s1 =	sld [smem:$0x3F9A];
	s0 =	simm.s32 @p0 $0x1  }
0x13: {  	[smem:$0x3FB5] =	sst s0;
	s0 =	simm.s32 @!p1 $0x0  }
0x14: {  	s2 =	sld [smem:$0x3F99];
	s0 =	simm.s32 @p1 $0x1  }
0x15: {  	[smem:$0x3FB6] =	sst s0;
	s0 =	simm.s32 @!p2 $0x0  }
0x16: {  	s3 =	sld [smem:$0x3FDB];
	s0 =	simm.s32 @p2 $0x1  }
0x17: {  	s4 =	simm.s32 $0x1BF5;
	[smem:$0x3FB8] =	sst s0  }
0x18: {  	s0 =	sld [smem:$0x3F9B];
	_ =	swait.ge [sflag:s4], $0x0  }
0x19: {  	s7 =	sld [smem:$0x3F9C]  }
0x1a: {  	s8 =	sadd.s32 $0xFFFFE003, lr  }
0x1b: {  	s9 =	sadd.s32 $0xFFFFFEF7, lr;
	s5 =	simm.s32 $0xFFFFFFFF;
	p2 =	slt.u32 s8, $0xFFFFF086  }
0x1c: {  	p1 =	slt.u32 s9, $0xF7A;
	s5 =	simm.s32 @!p2 $0x0  }
0x1d: {  	s5 =	simm.s32 @p1 $0x1;
	p0 =	seq.s32 s7, s2  }
0x1e: {  	s7 =	smul.u32 @!p0 $0xF7A, s2;
	p2 =	seq.s32 @!p0 s5, $0x0  }
0x1f: {  	s9 =	smul.u32 $0xF7A, s1;
	s8 =	simm.s32 @!p0 $0x1BF5;
	p2 =	por !p2, p0  }
0x20: {  	[sflag:s8] =	ssyncset.s32 @!p0 $0xFFFFF086;
	s6 =	sadd.s32 @!p0 s3, s7;
	s7 =	simm.s32 @!p0 $0x108  }
0x21: {  	s3 =	sadd.s32 s3, s9;
	s6 =	sadd.s32 @!p0 $0x88, s6;
	s7 =	simm.s32 @p2 $0x1082  }
0x22: {  	[simem:s7], [sflag:s8] =	dma.local @!p0 [hbm:s6], $0xF7A  }
0x23: {  	s9 =	sor.u32 $0xD0000000, s2;
	s6 =	simm.s32 $0x108;
	_ =	swait.ge @!p0 [sflag:s8], $0x0  }
0x24: {  	s3 =	sadd.s32 $0x88, s3;
	s6 =	simm.s32 @!p1 $0x1082;
	[sflag:s4] =	ssyncset.s32 $0xFFFFF086  }
0x25: {  	[simem:s6], [sflag:s4] =	dma.local [hbm:s3], $0xF7A  }
0x26: {  	[smem:$0x3F9C] =	sst s1;
	(tag) =	ssettag s2;
	_ =	strace s9  }
0x27: {  	s1 =	sld [smem:$0x3FAC]  }
0x28: {  	s2 =	sld [smem:$0x3FAD]  }
0x29: {  	s4 =	sld [smem:$0x3FAF]  }
0x2a: {  	p0 =	seq.s32 s5, $0x0;
	s5 =	sld [smem:$0x3FB0]  }
0x2b: {  	s6 =	sld [smem:$0x3FB1]  }
0x2c: {  	s7 =	sld [smem:$0x3FB2]  }
0x2d: {  	s3 =	simm.s32 $0x108;
	s8 =	sld [smem:$0x3FB3]  }
0x2e: {  	s3 =	simm.s32 @!p0 $0x1082;
	s9 =	sld [smem:$0x3FB4]  }
0x2f: {  	lr =	sadd.s32 s0, s3;
	s0 =	sld [smem:$0x3FAB]  }
0x30: {  	s3 =	sld [smem:$0x3FAE]  }
0x31: {  	[smem:$0x3FB7] =	sst s10  }
0x32: {  	s10 =	sld [smem:$0x3FB5];
	_ =	sdelay $0x3  }
0x33: {  	p0 =	seq.s32 s10, $0x1;
	s10 =	sld [smem:$0x3FB7];
	_ =	sdelay $0x3  }
0x34: {  	[smem:$0x3FB7] =	sst s10  }
0x35: {  	s10 =	sld [smem:$0x3FB6];
	_ =	sdelay $0x3  }
0x36: {  	p1 =	seq.s32 s10, $0x1;
	s10 =	sld [smem:$0x3FB7];
	_ =	sdelay $0x3  }
0x37: {  	[smem:$0x3FB7] =	sst s10  }
0x38: {  	s10 =	sld [smem:$0x3FB8]  }
0x39: {  	_ = 	snop;
	(pc) =	sbr.ind lr, $3  }
0x3a: {  	_ = 	snop  }
0x3b: {  	_ = 	snop  }
0x3c: {  	p2 =	seq.s32 s10, $0x1;
	s10 =	sld [smem:$0x3FB7]  }
0x3d: {  	_ =	shalt  }
0x3e: {  	_ =	shalt  }
0x3f: {  	_ =	shalt  }
0x40: {  	_ =	shalt  }
0x41: {  	_ =	shalt  }
0x42: {  	_ =	shalt  }
0x43: {  	_ =	shalt  }
0x44: {  	_ =	shalt  }
0x45: {  	_ =	shalt  }
0x46: {  	_ =	shalt  }
0x47: {  	_ =	shalt  }
0x48: {  	_ =	shalt  }
0x49: {  	_ =	shalt  }
0x4a: {  	_ =	shalt  }
0x4b: {  	_ =	shalt  }
0x4c: {  	_ =	shalt  }
0x4d: {  	_ =	shalt  }
0x4e: {  	_ =	shalt  }
0x4f: {  	_ =	shalt  }
0x50: {  	_ =	shalt  }
0x51: {  	_ =	shalt  }
0x52: {  	_ =	shalt  }
0x53: {  	_ =	shalt  }
0x54: {  	_ =	shalt  }
0x55: {  	_ =	shalt  }
0x56: {  	_ =	shalt  }
0x57: {  	_ =	shalt  }
0x58: {  	_ =	shalt  }
0x59: {  	_ =	shalt  }
0x5a: {  	_ =	shalt  }
0x5b: {  	_ =	shalt  }
0x5c: {  	_ =	shalt  }
0x5d: {  	_ =	shalt  }
0x5e: {  	_ =	shalt  }
0x5f: {  	_ =	shalt  }
0x60: {  	_ =	shalt  }
0x61: {  	_ =	shalt  }
0x62: {  	_ =	shalt  }
0x63: {  	_ =	shalt  }
0x64: {  	_ =	shalt  }
0x65: {  	_ =	shalt  }
0x66: {  	_ =	shalt  }
0x67: {  	_ =	shalt  }
0x68: {  	_ =	shalt  }
0x69: {  	_ =	shalt  }
0x6a: {  	_ =	shalt  }
0x6b: {  	_ =	shalt  }
0x6c: {  	_ =	shalt  }
0x6d: {  	_ =	shalt  }
0x6e: {  	_ =	shalt  }
0x6f: {  	_ =	shalt  }
0x70: {  	_ =	shalt  }
0x71: {  	_ =	shalt  }
0x72: {  	_ =	shalt  }
0x73: {  	_ =	shalt  }
0x74: {  	_ =	shalt  }
0x75: {  	_ =	shalt  }
0x76: {  	_ =	shalt  }
0x77: {  	_ =	shalt  }
0x78: {  	_ =	shalt  }
0x79: {  	_ =	shalt  }
0x7a: {  	_ =	shalt  }
0x7b: {  	_ =	shalt  }
0x7c: {  	_ =	shalt  }
0x7d: {  	_ =	shalt  }
0x7e: {  	_ =	shalt  }
0x7f: {  	_ =	shalt  }
0x80: {  	_ =	shalt  }
0x81: {  	_ =	shalt  }
0x82: {  	_ =	shalt  }
0x83: {  	_ =	shalt  }
0x84: {  	_ =	shalt  }
0x85: {  	_ =	shalt  }
0x86: {  	_ =	shalt  }
0x87: {  	_ =	shalt  }
.Lfunc_end0:
.L_simem_size_0:
called_computation_lowered:
.L_overlay_start_0:
0x88: {  	s2 =	sld [smem:$0x3FD9]  }
0x89: {  	s3 =	sld [smem:$0x3FFE];
	_ =	sdelay $0x1  }
0x8a: {  	s1 =	srdreg.scid  }
0x8b: {  	s0 =	sand.u32 $0x1, s1  }
0x8c: {  	s17 =	sshll.u32 s0, $0xA;
	s2 =	sadd.s32 s3, s2  }
0x8d: {  	s2 =	sadd.s32 s2, s17  }
0x8e: {  	[smem:$0x3FC3] =	sst s2  }
0x8f: {  	_ = 	snop  }
0x90: {  	s2 =	sld [smem:$0x3FC8]  }
0x91: {  	s18 =	sld [smem:$0x3FD0];
	(tm) =	ssettm $0x1  }
0x92: {  	s4 =	sld [smem:$0x3FFB];
	_ =	sdelay $0x3  }
0x93: {  	_ =	strace s4  }
0x94: {  	s4 =	sld [smem:$0x3FFC];
	_ =	sdelay $0x3  }
0x95: {  	_ =	strace s4  }
0x96: {  	s4 =	sld [smem:$0x3FFD];
	_ =	sdelay $0x3  }
0x97: {  	_ =	strace s4  }
0x98: {  	_ =	strace $0x8FFFFFFF  }
0x99: {  	s19 =	sld [smem:$0x3FDB];
	_ =	sdelay $0x1  }
0x9a: {  	s5 =	simm.s32 $_scs_section_size  }
0x9b: {  	s6 =	simm.s32 $_size__tile_overlayer_lowered;
	s7 =	simm.s32 $_tile_overlayer_lowered  }
0x9c: {  	s22 =	simm.s32 $0x1BFF;
	s21 =	sshll.u32 s7, $0x1;
	s4 =	sadd.s32 s5, s19  }
0x9d: {  	s8 =	simm.s32 $0x0;
	s20 =	sshll.u32 s6, $0x1;
	s6 =	sadd.s32 s21, s4  }
0x9e: {  	[timem:s8], [sflag:s22] =	dma.local [hbm:s6], s20  }
0x9f: {  	_ =	swait.ge [sflag:s22], s20  }
0xa0: {  	s5 =	ssub.s32 $0x0, s20;
	[sflag:s22] =	ssyncset.done $0x0  }
0xa1: {  	[sflag:s22] =	ssyncadd.s32 s5;
	_ =	sdelay $0x1  }
0xa2: {  	s23 =	simm.s32 $0x1B8B  }
0xa3: {  	_ =	swait.ge [sflag:s23], $0x1  }
0xa4: {  	[sflag:s23] =	ssyncset.done $0x0  }
0xa5: {  	s25 =	simm.s32 $0x1B8E;
	s24 =	sld [smem:$0x3FFE];
	[sflag:s23] =	ssyncadd.s32 $0xFFFFFFFF  }
0xa6: {  	s26 =	simm.s32 $execute0_lowered;
	[smem:$0x3FD2] =	sst s25  }
0xa7: {  	s6 =	sshll.u32 s26, $0x1;
	_ =	strace $0x80000046;
	[dreg:$0x1] =	wrdreg $0xFFFFFFFF  }
0xa8: {  	s28 =	simm.s32 $_size_execute0_lowered;
	s4 =	sadd.s32 s4, s6;
	[dreg:$0x0] =	wrdreg $0x0  }
0xa9: {  	s6 =	sshll.u32 s28, $0x1;
	[dreg:$0x2] =	wrdreg s4  }
0xaa: {  	[dreg:$0x3] =	wrdreg s6  }
0xab: {  	[dreg:$0x4] =	wrdreg $0xC0  }
0xac: {  	_ =	task [dreg:s8], $0x5FFFF  }
0xad: {  	[dreg:$0x1] =	wrdreg $0xFFFFFFFF  }
0xae: {  	[dreg:$0x0] =	wrdreg $0x60  }
0xaf: {  	[dreg:$0x2] =	wrdreg s2  }
0xb0: {  	[dreg:$0x3] =	wrdreg s18  }
0xb1: {  	[dreg:$0x4] =	wrdreg s24  }
0xb2: {  	[dreg:$0x5] =	wrdreg $0x9  }
0xb3: {  	_ =	task.clear_ibuf [dreg:s8], $0x6FFFF;
	_ =	strace $0x90000046  }
0xb4: {  	s29 =	simm.s32 $0x9;
	_ =	strace $0x80000048  }
0xb5: {  	_ =	swait.ge [sflag:s29], $0x1  }
0xb6: {  	[sflag:s29] =	ssyncadd.s32 $0xFFFFFFFF  }
0xb7: {  	_ =	strace $0x90000048  }
0xb8: {  	_ =	sfence  }
0xb9: {  	s30 =	sld [smem:$0x0];
	_ =	sdelay $0x2  }
0xba: {  	s31 =	sshll.u32 s1, $0xD;
	s1 =	sshrl.u32 s1, $0x2  }
0xbb: {  	s3 =	sand.u32 $0x4000, s31;
	s1 =	sadd.s32 s1, s30  }
0xbc: {  	s0 =	sor.u32 s3, s0;
	s1 =	sshll.u32 s1, $0x11  }
0xbd: {  	s0 =	sor.u32 s1, s0  }
0xbe: {  	s0 =	sadd.s32 $0x8F2B, s0  }
0xbf: {  	[sflag:s0] =	ssyncadd.remote.s32 $0x1  }
0xc0: {  	_ =	sfence.sel $0xFFFF  }
0xc1: {  	[dreg:$0x0] =	wrdreg $0xFFFFFFFF;
	(pc) =	sbr.abs _section_cstart, $3  }
0xc2: {  	[dreg:$0x1] =	wrdreg $0xFFFFFFFF  }
0xc3: {  	_ =	task.clear_ibuf [dreg:s8], $0x2FFFF;
	_ =	strace $0x9FFFFFFF  }
0xc4: {  	(tm) =	ssettm $0x7FFFFFFF  }
0xc5: {  	_ =	shalt  }
tec
execute0_lowered:
.L_overlay_start_1:
0x0: {  	(tag) =	ssettag $0x1  }
0x1: {  	s1 =	rddreg [dreg:$0x0]  }
0x2: {  	s8 =	rddreg [dreg:$0x1];
	s2 =	srdreg.scid  }
0x3: {  	s0 =	stileid.u32;
	s4 =	rddreg [dreg:$0x2];
	s3 =	simm.s32 $0x0  }
0x4: {  	s17 =	simm.s32 $0x2;
	s18 =	simm.s32 $0x80;
	s19 =	simm.s32 $0x6080  }
0x5: {  	s5 =	sand.u32 $0x1, s2;
	s6 =	sshll.u32 s0, $0x1;
	s2 =	rddreg [dreg:$0x3]  }
0x6: {  	s20 =	simm.s32 $0x1;
	[smem:$0x7FF] =	sst s3;
	s6 =	sor.u32 s5, s6  }
0x7: {  	s9 =	sadd.s32 $0x90C00, s4;
	s26 =	ssub.s32 $0x2, s5;
	s7 =	smul.u32 $0xC0, s6  }
0x8: {  	_ =	strace $0x80000047;
	s5 =	sshrl.u32 s26, $0x1;
	s6 =	smul.u32 $0x9000, s6  }
0x9: {  	s16 =	ssub.s32 s26, s5;
	s10 =	sshrl.u32 s7, $0x3;
	s28 =	sor.u32 $0x20, s7  }
0xa: {  	s5 =	sadd.s32 s9, s6;
	s29 =	sadd.s32 $0x40, s7;
	s16 =	smax.u32 s16, $0x1  }
0xb: {  	s4 =	sadd.s32 s8, s10;
	s11 =	smul.u32 $0xC0, s28;
	s30 =	sshrl.u32 s28, $0x3  }
0xc: {  	s31 =	sshrl.u32 s29, $0x3;
	s12 =	smul.u32 $0xC0, s29;
	s13 =	sadd.s32 $0x6000, s5  }
0xd: {  	s15 =	sadd.s32 $0x7800, s5;
	s6 =	sadd.s32 s8, s30;
	s8 =	sadd.s32 s8, s31  }
0xe: {  	s10 =	sadd.s32 $0xC, s4;
	s14 =	sadd.s32 $0x14, s4;
	s7 =	sadd.s32 s9, s11  }
0xf: {  	v0 =	vlaneseq.u32;
	vm0 =	vmmov $0xffff;
	s9 =	sadd.s32 s9, s12;
	s11 =	sadd.s32 $0x4800, s5;
	s12 =	sadd.s32 $0x10, s4  }
.LBB2_1:
0x10: {  	[tilespmem:s3], [sflag:$0x2] =	stream.linear.gather [hbm4b:s4+s3], $0x20, $0x38;
	[tilespmem:$0xC080] =	vst v63  }
0x11: {  	_ =	swait.ge [sflag:s17], $0x20  }
0x12: {  	[sflag:s17] =	ssyncset.done $0x0  }
0x13: {  	[sflag:s17] =	ssyncadd.s32 $0xFFFFFFE0  }
0x14: {  	v1 =	vld [tilespmem:$0x0];
	_ =	sdelay $0x4  }
0x15: {  	v1 =	vmul.u32 $0x600, v1;
	_ =	sdelay $0x1  }
0x16: {  	v1 =	vperm.xlane v1, v0;
	_ =	sdelay $0x5  }
0x17: {  	[tilespmem:s18], [sflag:$0x1] =	stream.indirect_vreg.gather [hbm4b:s1+s3], $0x600, v1, vm0, $0x38;
	[tilespmem:$0xC080] =	vst v63  }
0x18: {  	v1 =	vld [tilespmem:$0x10];
	_ =	sdelay $0x4  }
0x19: {  	v1 =	vmul.u32 $0x600, v1;
	_ =	sdelay $0x1  }
0x1a: {  	v1 =	vperm.xlane v1, v0;
	_ =	sdelay $0x5  }
0x1b: {  	[tilespmem:s19], [sflag:$0x1] =	stream.indirect_vreg.gather [hbm4b:s1+s3], $0x600, v1, vm0, $0x38;
	[tilespmem:$0xC080] =	vst v63  }
0x1c: {  	_ =	swait.ge [sflag:s20], $0xC000  }
0x1d: {  	[sflag:s20] =	ssyncset.done $0x0  }
0x1e: {  	[sflag:s20] =	ssyncadd.s32 $0xFFFF4000  }
0x1f: {  	[hbm4b:s5+s3] =	stream.linear.scatter [tilespmem:s18], [sflag:$0x2], $0xC000, $0x38;
	[tilespmem:$0xC080] =	vst v63  }
0x20: {  	_ =	swait.ge [sflag:s17], $0xC000  }
0x21: {  	[sflag:s17] =	ssyncset.done $0x0  }
0x22: {  	[sflag:s17] =	ssyncadd.s32 $0xFFFF4000  }
0x23: {  	[tilespmem:s3], [sflag:$0x2] =	stream.linear.gather [hbm4b:s6+s3], $0x20, $0x38;
	[tilespmem:$0xC080] =	vst v63  }
0x24: {  	_ =	swait.ge [sflag:s17], $0x20  }
0x25: {  	[sflag:s17] =	ssyncset.done $0x0  }
0x26: {  	[sflag:s17] =	ssyncadd.s32 $0xFFFFFFE0  }
0x27: {  	v1 =	vld [tilespmem:$0x0];
	_ =	sdelay $0x4  }
0x28: {  	v1 =	vmul.u32 $0x600, v1;
	_ =	sdelay $0x1  }
0x29: {  	v1 =	vperm.xlane v1, v0;
	_ =	sdelay $0x5  }
0x2a: {  	[tilespmem:s18], [sflag:$0x1] =	stream.indirect_vreg.gather [hbm4b:s1+s3], $0x600, v1, vm0, $0x38;
	[tilespmem:$0xC080] =	vst v63  }
0x2b: {  	v1 =	vld [tilespmem:$0x10];
	_ =	sdelay $0x4  }
0x2c: {  	v1 =	vmul.u32 $0x600, v1;
	_ =	sdelay $0x1  }
0x2d: {  	v1 =	vperm.xlane v1, v0;
	_ =	sdelay $0x5  }
0x2e: {  	[tilespmem:s19], [sflag:$0x1] =	stream.indirect_vreg.gather [hbm4b:s1+s3], $0x600, v1, vm0, $0x38;
	[tilespmem:$0xC080] =	vst v63  }
0x2f: {  	_ =	swait.ge [sflag:s20], $0xC000  }
0x30: {  	[sflag:s20] =	ssyncset.done $0x0  }
0x31: {  	[sflag:s20] =	ssyncadd.s32 $0xFFFF4000  }
0x32: {  	[hbm4b:s7+s3] =	stream.linear.scatter [tilespmem:s18], [sflag:$0x2], $0xC000, $0x38;
	[tilespmem:$0xC080] =	vst v63  }
0x33: {  	_ =	swait.ge [sflag:s17], $0xC000  }
0x34: {  	[sflag:s17] =	ssyncset.done $0x0  }
0x35: {  	[sflag:s17] =	ssyncadd.s32 $0xFFFF4000  }
0x36: {  	[tilespmem:s3], [sflag:$0x2] =	stream.linear.gather [hbm4b:s8+s3], $0x20, $0x38;
	[tilespmem:$0xC080] =	vst v63  }
0x37: {  	_ =	swait.ge [sflag:s17], $0x20  }
0x38: {  	[sflag:s17] =	ssyncset.done $0x0  }
0x39: {  	[sflag:s17] =	ssyncadd.s32 $0xFFFFFFE0  }
0x3a: {  	v1 =	vld [tilespmem:$0x0];
	_ =	sdelay $0x4  }
0x3b: {  	v1 =	vmul.u32 $0x600, v1;
	_ =	sdelay $0x1  }
0x3c: {  	v1 =	vperm.xlane v1, v0;
	_ =	sdelay $0x5  }
0x3d: {  	[tilespmem:s18], [sflag:$0x1] =	stream.indirect_vreg.gather [hbm4b:s1+s3], $0x600, v1, vm0, $0x38;
	[tilespmem:$0xC080] =	vst v63  }
0x3e: {  	v1 =	vld [tilespmem:$0x10];
	_ =	sdelay $0x4  }
0x3f: {  	v1 =	vmul.u32 $0x600, v1;
	_ =	sdelay $0x1  }
0x40: {  	v1 =	vperm.xlane v1, v0;
	_ =	sdelay $0x5  }
0x41: {  	[tilespmem:s19], [sflag:$0x1] =	stream.indirect_vreg.gather [hbm4b:s1+s3], $0x600, v1, vm0, $0x38;
	[tilespmem:$0xC080] =	vst v63  }
0x42: {  	_ =	swait.ge [sflag:s20], $0xC000  }
0x43: {  	[sflag:s20] =	ssyncset.done $0x0  }
0x44: {  	[sflag:s20] =	ssyncadd.s32 $0xFFFF4000  }
0x45: {  	[hbm4b:s9+s3] =	stream.linear.scatter [tilespmem:s18], [sflag:$0x2], $0xC000, $0x38;
	[tilespmem:$0xC080] =	vst v63  }
0x46: {  	_ =	swait.ge [sflag:s17], $0xC000  }
0x47: {  	[sflag:s17] =	ssyncset.done $0x0  }
0x48: {  	[sflag:s17] =	ssyncadd.s32 $0xFFFF4000  }
0x49: {  	[tilespmem:s3], [sflag:$0x2] =	stream.linear.gather [hbm4b:s10+s3], $0x20, $0x38;
	[tilespmem:$0xC080] =	vst v63  }
0x4a: {  	_ =	swait.ge [sflag:s17], $0x20  }
0x4b: {  	[sflag:s17] =	ssyncset.done $0x0  }
0x4c: {  	[sflag:s17] =	ssyncadd.s32 $0xFFFFFFE0  }
0x4d: {  	v1 =	vld [tilespmem:$0x0];
	_ =	sdelay $0x4  }
0x4e: {  	v1 =	vmul.u32 $0x600, v1;
	_ =	sdelay $0x1  }
0x4f: {  	v1 =	vperm.xlane v1, v0;
	_ =	sdelay $0x5  }
0x50: {  	[tilespmem:s18], [sflag:$0x1] =	stream.indirect_vreg.gather [hbm4b:s1+s3], $0x600, v1, vm0, $0x38;
	[tilespmem:$0xC080] =	vst v63  }
0x51: {  	v1 =	vld [tilespmem:$0x10];
	_ =	sdelay $0x4  }
0x52: {  	v1 =	vmul.u32 $0x600, v1;
	_ =	sdelay $0x1  }
0x53: {  	v1 =	vperm.xlane v1, v0;
	_ =	sdelay $0x5  }
0x54: {  	[tilespmem:s19], [sflag:$0x1] =	stream.indirect_vreg.gather [hbm4b:s1+s3], $0x600, v1, vm0, $0x38;
	[tilespmem:$0xC080] =	vst v63  }
0x55: {  	_ =	swait.ge [sflag:s20], $0xC000  }
0x56: {  	[sflag:s20] =	ssyncset.done $0x0  }
0x57: {  	[sflag:s20] =	ssyncadd.s32 $0xFFFF4000  }
0x58: {  	[hbm4b:s11+s3] =	stream.linear.scatter [tilespmem:s18], [sflag:$0x2], $0xC000, $0x38;
	[tilespmem:$0xC080] =	vst v63  }
0x59: {  	_ =	swait.ge [sflag:s17], $0xC000  }
0x5a: {  	[sflag:s17] =	ssyncset.done $0x0  }
0x5b: {  	[sflag:s17] =	ssyncadd.s32 $0xFFFF4000  }
0x5c: {  	[tilespmem:s3], [sflag:$0x2] =	stream.linear.gather [hbm4b:s12+s3], $0x20, $0x38;
	[tilespmem:$0xC080] =	vst v63  }
0x5d: {  	_ =	swait.ge [sflag:s17], $0x20  }
0x5e: {  	[sflag:s17] =	ssyncset.done $0x0  }
0x5f: {  	[sflag:s17] =	ssyncadd.s32 $0xFFFFFFE0  }
0x60: {  	v1 =	vld [tilespmem:$0x0];
	_ =	sdelay $0x4  }
0x61: {  	v1 =	vmul.u32 $0x600, v1;
	_ =	sdelay $0x1  }
0x62: {  	v1 =	vperm.xlane v1, v0;
	_ =	sdelay $0x5  }
0x63: {  	[tilespmem:s18], [sflag:$0x1] =	stream.indirect_vreg.gather [hbm4b:s1+s3], $0x600, v1, vm0, $0x38;
	[tilespmem:$0xC080] =	vst v63  }
0x64: {  	v1 =	vld [tilespmem:$0x10];
	_ =	sdelay $0x4  }
0x65: {  	v1 =	vmul.u32 $0x600, v1;
	_ =	sdelay $0x1  }
0x66: {  	v1 =	vperm.xlane v1, v0;
	_ =	sdelay $0x5  }
0x67: {  	[tilespmem:s19], [sflag:$0x1] =	stream.indirect_vreg.gather [hbm4b:s1+s3], $0x600, v1, vm0, $0x38;
	[tilespmem:$0xC080] =	vst v63  }
0x68: {  	_ =	swait.ge [sflag:s20], $0xC000  }
0x69: {  	[sflag:s20] =	ssyncset.done $0x0  }
0x6a: {  	[sflag:s20] =	ssyncadd.s32 $0xFFFF4000  }
0x6b: {  	[hbm4b:s13+s3] =	stream.linear.scatter [tilespmem:s18], [sflag:$0x2], $0xC000, $0x38;
	[tilespmem:$0xC080] =	vst v63  }
0x6c: {  	_ =	swait.ge [sflag:s17], $0xC000  }
0x6d: {  	[sflag:s17] =	ssyncset.done $0x0  }
0x6e: {  	[sflag:s17] =	ssyncadd.s32 $0xFFFF4000  }
0x6f: {  	[tilespmem:s3], [sflag:$0x2] =	stream.linear.gather [hbm4b:s14+s3], $0x20, $0x38;
	[tilespmem:$0xC080] =	vst v63  }
0x70: {  	_ =	swait.ge [sflag:s17], $0x20  }
0x71: {  	[sflag:s17] =	ssyncset.done $0x0  }
0x72: {  	[sflag:s17] =	ssyncadd.s32 $0xFFFFFFE0  }
0x73: {  	v1 =	vld [tilespmem:$0x0];
	_ =	sdelay $0x4  }
0x74: {  	v1 =	vmul.u32 $0x600, v1;
	_ =	sdelay $0x1  }
0x75: {  	v1 =	vperm.xlane v1, v0;
	_ =	sdelay $0x5  }
0x76: {  	[tilespmem:s18], [sflag:$0x1] =	stream.indirect_vreg.gather [hbm4b:s1+s3], $0x600, v1, vm0, $0x38;
	[tilespmem:$0xC080] =	vst v63  }
0x77: {  	v1 =	vld [tilespmem:$0x10];
	_ =	sdelay $0x4  }
0x78: {  	v1 =	vmul.u32 $0x600, v1;
	_ =	sdelay $0x1  }
0x79: {  	v1 =	vperm.xlane v1, v0;
	_ =	sdelay $0x5  }
0x7a: {  	[tilespmem:s19], [sflag:$0x1] =	stream.indirect_vreg.gather [hbm4b:s1+s3], $0x600, v1, vm0, $0x38;
	[tilespmem:$0xC080] =	vst v63  }
0x7b: {  	_ =	swait.ge [sflag:s20], $0xC000  }
0x7c: {  	p0 =	sne.s32 s16, $0x1;
	[sflag:s20] =	ssyncset.done $0x0  }
.Ltmp0:
0x7d: {  	[sflag:s20] =	ssyncadd.s32 $0xFFFF4000;
	(pc) =	sbr.rel @p0 .LBB2_1-.Ltmp0, $4  }
0x7e: {  	[hbm4b:s15+s3] =	stream.linear.scatter [tilespmem:s18], [sflag:$0x2], $0xC000, $0x38;
	[tilespmem:$0xC080] =	vst v63  }
0x7f: {  	_ =	swait.ge [sflag:s17], $0xC000  }
0x80: {  	[sflag:s17] =	ssyncset.done $0x0  }
0x81: {  	s16 =	sadd.s32 $0xFFFFFFFF, s16;
	[sflag:s17] =	ssyncadd.s32 $0xFFFF4000  }
0x82: {  	_ =	sfence.sel $0x180000  }
0x83: {  	[bflag:$0x0] =	sbarrier.arrive $0xFFFF  }
0x84: {  	p0 =	sne.s32 s0, $0x0;
	_ =	strace $0x90000047  }
0x85: {  	s0 =	sadd.s32 @!p0 $0x100000, s2;
	[bflag:$0x2] =	sbarrier.arrive $0xFFFF  }
0x86: {  	[sflag:s0] =	ssyncadd.tile.s32 @!p0 $0x1;
	_ =	shalt  }
.Lfunc_end2:
_tile_overlayer_lowered:
.L_overlay_start_2:
0x87: {  	(tag) =	ssettag $0x2  }
0x88: {  	s0 =	rddreg [dreg:$0x0];
	s2 =	stileid.u32  }
0x89: {  	s1 =	rddreg [dreg:$0x1];
	p0 =	sne.s32 s2, $0x0  }
0x8a: {  	s3 =	rddreg [dreg:$0x2];
	[bflag:$0x3] =	sbarrier.arrive $0xFFFF;
	s2 =	simm.s32 @!p0 $0x1C02  }
0x8b: {  	[timem:s3], [sflag:s2] =	dma.local @!p0 [hbm:s0], s1  }
0x8c: {  	s0 =	simm.s32 @!p0 $0x2  }
0x8d: {  	_ =	swait.ge @!p0 [sflag:s0], s1  }
0x8e: {  	s1 =	ssub.s32 @!p0 $0x0, s1;
	[sflag:s0] =	ssyncset.done @!p0 $0x0  }
0x8f: {  	[sflag:s0] =	ssyncadd.s32 @!p0 s1  }
0x90: {  	[bflag:$0x3] =	sbarrier.arrive $0xFFFF  }
0x91: {  	_ =	shalt  }

</sc_bundles>
